<compile_context>
chip_gen: v7x
topology: tpu7x:2x2x1
jax: 0.10.2.dev20260603
libtpu: 0.0.44.dev20260713+nightly
codegen_flags: <defaults>
</compile_context>

<pallas_src>
import jax
import jax.numpy as jnp
from jax import lax
from jax.experimental import pallas as pl
from jax.experimental.pallas import tpu as pltpu
from jax.experimental.pallas import tpu_sc as plsc

_W_GEOM = 0.55
_W_LM = 0.3
_W_BAR = 0.15
_EPS = 1e-12

_LANES = 16


def _table_body(ctx_ref, w_ref, bar_ref, table_ref, s_acc, ss_acc, pn_acc):
    i = pl.program_id(0)
    nsteps = pl.num_programs(0)
    wblk = w_ref[...]
    bdim = wblk.shape[1]

    iota = lax.broadcasted_iota(jnp.int32, (1, bdim), 1)
    cnt = jnp.zeros((1, bdim), jnp.float32)
    used = jnp.int32(0)
    for j in range(ctx_ref.shape[0]):
        cj = ctx_ref[j]
        vj = (cj >= 0) & (cj < bdim)
        cnt = cnt + jnp.where(vj & (iota == cj), 1.0, 0.0).astype(jnp.float32)
        used = used + vj.astype(jnp.int32)
    u = jnp.maximum(used, 1).astype(jnp.float32)

    proto_blk = jnp.sum(wblk * cnt, axis=1, keepdims=True) / u
    s_part = jnp.sum(wblk * proto_blk, axis=0, keepdims=True)
    ss_part = jnp.sum(wblk * wblk, axis=0, keepdims=True)
    pn_part = jnp.sum(proto_blk * proto_blk)

    @pl.when(i == 0)
    def _():
        s_acc[...] = s_part
        ss_acc[...] = ss_part
        pn_acc[0, 0] = pn_part

    @pl.when(i > 0)
    def _():
        s_acc[...] += s_part
        ss_acc[...] += ss_part
        pn_acc[0, 0] += pn_part

    @pl.when(i == nsteps - 1)
    def _():
        na = jnp.sqrt(pn_acc[0, 0]) + _EPS
        nv = jnp.sqrt(ss_acc[...]) + _EPS
        table_ref[...] = _W_GEOM * s_acc[...] / (na * nv) + _W_BAR * bar_ref[...]


def _make_table(context_idx, binding_w, bar_probs):
    k_dim, b_dim = binding_w.shape
    blk_k = 256
    nsteps = k_dim // blk_k
    return pl.pallas_call(
        _table_body,
        grid=(nsteps,),
        in_specs=[
            pl.BlockSpec(memory_space=pltpu.SMEM),
            pl.BlockSpec((blk_k, b_dim), lambda i: (i, 0)),
            pl.BlockSpec((1, b_dim), lambda i: (0, 0)),
        ],
        out_specs=pl.BlockSpec((1, b_dim), lambda i: (0, 0)),
        out_shape=jax.ShapeDtypeStruct((1, b_dim), jnp.float32),
        scratch_shapes=[
            pltpu.VMEM((1, b_dim), jnp.float32),
            pltpu.VMEM((1, b_dim), jnp.float32),
            pltpu.SMEM((1, 1), jnp.float32),
        ],
        compiler_params=pltpu.CompilerParams(
            dimension_semantics=("arbitrary",),
        ),
    )(context_idx, binding_w, bar_probs.reshape(1, b_dim))


def _score_body(table_hbm, cp_hbm, ci_hbm, out_hbm,
                ci_v, cp_v, tg_v, out_v, sem, semin):
    cid = lax.axis_index("c")
    sid = lax.axis_index("s")
    c_dim = cp_hbm.shape[0]

    @pl.when((cid == 0) & (sid == 0))
    def _():
        cp_in = pltpu.async_copy(cp_hbm, cp_v, semin)
        pltpu.async_copy(ci_hbm, ci_v, sem).wait()
        nch = 4
        chunk = c_dim // nch
        gats = [
            pltpu.async_copy(table_hbm.at[ci_v.at[pl.ds(g * chunk, chunk)]],
                             tg_v.at[pl.ds(g * chunk, chunk)], sem)
            for g in range(nch)
        ]
        cp_in.wait()

        def lbody(it, carry):
            bv, bi = carry
            for v in range(4):
                o = it * (4 * _LANES) + v * _LANES
                sc = tg_v[pl.ds(o, _LANES)] + _W_LM * cp_v[pl.ds(o, _LANES)]
                gidx = o + lax.iota(jnp.int32, _LANES)
                take = sc > bv
                bv = jnp.where(take, sc, bv)
                bi = jnp.where(take, gidx, bi)
            return bv, bi

        bv0 = jnp.full((_LANES,), -1e30, jnp.float32)
        bi0 = jnp.zeros((_LANES,), jnp.int32)
        carry = (bv0, bi0)
        nit = chunk // (4 * _LANES)
        for g in range(nch):
            gats[g].wait()
            carry = lax.fori_loop(g * nit, (g + 1) * nit, lbody, carry)
        bv, bi = carry

        m = jnp.max(bv, axis=0)
        cand = jnp.where(bv == m, bi, 2**31 - 1)
        win = jnp.min(cand, axis=0)
        out_v[...] = jnp.broadcast_to(win, (_LANES,))
        pltpu.sync_copy(out_v, out_hbm)


def _score(table, cand_probs, cand_idx):
    c_dim = cand_probs.shape[0]
    mesh = plsc.VectorSubcoreMesh(
        core_axis_name="c", subcore_axis_name="s", num_cores=1, num_subcores=16
    )
    return pl.kernel(
        _score_body,
        out_type=jax.ShapeDtypeStruct((_LANES,), jnp.int32),
        mesh=mesh,
        compiler_params=pltpu.CompilerParams(needs_layout_passes=False),
        scratch_types=[
            pltpu.VMEM((c_dim,), jnp.int32),
            pltpu.VMEM((c_dim,), jnp.float32),
            pltpu.VMEM((c_dim,), jnp.float32),
            pltpu.VMEM((_LANES,), jnp.int32),
            pltpu.SemaphoreType.DMA,
            pltpu.SemaphoreType.DMA,
        ],
    )(table, cand_probs, cand_idx)


def kernel(context_idx, binding_W, bar_probs, cand_probs, cand_idx):
    context_idx = context_idx.reshape(-1).astype(jnp.int32)
    cand_idx = cand_idx.reshape(-1).astype(jnp.int32)
    cand_probs = cand_probs.reshape(-1)
    table = _make_table(context_idx, binding_W, bar_probs)
    res = _score(table.reshape(-1), cand_probs, cand_idx)
    return res[0]

# --- scband reference (transcript-rebuilt; emitter-appended) ---
"""Pipeline reference for scband-mechanistic-forward-12618613915678 (READ-ONLY COPY).

The authoritative reference and input builder live on the scoring server;
editing this copy changes nothing except your own understanding.
"""

import jax, jax.numpy as jnp
import numpy as np

W_GEOM = 0.55
W_LM = 0.3
W_BAR = 0.15

K_DIM, B_DIM, C_DIM = 2048, 8192, 4096

def setup_inputs(seed: int = 0) -> dict:
    key = jax.random.key(seed)
    k1, k2, k3, k4, k5 = jax.random.split(key, 5)
    return {
        "context_idx": jax.random.randint(k1, (3,), 0, B_DIM),
        "binding_W": jax.random.normal(k2, (K_DIM, B_DIM), dtype=jnp.float32),
        "bar_probs": jax.random.uniform(k3, (B_DIM,), dtype=jnp.float32),
        "cand_probs": jax.random.uniform(k4, (C_DIM,), dtype=jnp.float32),
        "cand_idx": jax.random.randint(k5, (C_DIM,), 0, B_DIM),
    }

def reference(context_idx, binding_W, bar_probs, cand_probs, cand_idx):
    K, B = binding_W.shape
    cand_probs = cand_probs.reshape(-1)
    cand_idx = cand_idx.reshape(-1)

    # Context prototype: mean of binding_W columns for in-range context tokens.
    ctx = context_idx.reshape(-1)
    ctx_valid = (ctx >= 0) & (ctx < B)
    ctx_safe = jnp.clip(ctx, 0, B - 1)
    gathered = jnp.take(binding_W, ctx_safe, axis=1) * ctx_valid.astype(binding_W.dtype)[None, :]
    used = jnp.sum(ctx_valid)
    proto = jnp.sum(gathered, axis=1) / jnp.maximum(used, 1).astype(binding_W.dtype)

    # Candidate scoring (vectorized equivalent of the per-candidate loop).
    cand_valid = (cand_idx >= 0) & (cand_idx < B)
    cand_safe = jnp.clip(cand_idx, 0, B - 1)
    V = jnp.take(binding_W, cand_safe, axis=1)  # [K, C]
    na = jnp.linalg.norm(proto) + 1e-12
    nv = jnp.linalg.norm(V, axis=0) + 1e-12
    geom = (proto @ V) / (na * nv)
    geom = jnp.where(used > 0, geom, jnp.zeros_like(geom))
    bar = jnp.take(bar_probs, cand_safe)
    blended = W_GEOM * geom + W_LM * cand_probs + W_BAR * bar
    scores = jnp.where(cand_valid, blended, cand_probs)
    return jnp.argmax(scores)

if __name__ == "__main__":
    import jax
    _d = setup_inputs()
    print(jax.jit(kernel)(*tuple(_d.values())))

</pallas_src>

<mosaic_0001>
#map = affine_map<(d0, d1) -> (0)>
module attributes {stable_mosaic.version = 14 : i64} {
  func.func @_score_body(%arg0: i32, %arg1: i32, %arg2: memref<8192xf32, #tpu.memory_space<hbm>>, %arg3: memref<4096xf32, #tpu.memory_space<hbm>>, %arg4: memref<4096xi32, #tpu.memory_space<hbm>>, %arg5: memref<16xi32, #tpu.memory_space<hbm>>, %arg6: memref<4096xi32, #tpu.memory_space<vmem>>, %arg7: memref<4096xf32, #tpu.memory_space<vmem>>, %arg8: memref<4096xf32, #tpu.memory_space<vmem>>, %arg9: memref<16xi32, #tpu.memory_space<vmem>>, %arg10: memref<!tpu.dma_semaphore, #tpu.memory_space<semaphore_mem>>, %arg11: memref<!tpu.dma_semaphore, #tpu.memory_space<semaphore_mem>>) attributes {dimension_semantics = [#tpu.dimension_semantics<core_parallel>, #tpu.dimension_semantics<subcore_parallel>], iteration_bounds = array<i64: 1, 16>, scalar_prefetch = 0 : i64, scratch_operands = 6 : i64, tpu.core_type = #tpu.core_type<sc_vector_subcore>, window_params = [{transform_indices = #map}, {transform_indices = #map}, {transform_indices = #map}, {transform_indices = #map}]} {
    %eq3A = arith.constant 0 : i32
    %eq3A_0 = arith.cmpi eq, %arg0, %eq3A : i32
    %eq3A_1 = arith.constant 0 : i32
    %eq3A_2 = arith.cmpi eq, %arg1, %eq3A_1 : i32
    %and3A = arith.andi %eq3A_0, %eq3A_2 : i1
    %convert_element_type3A = arith.extui %and3A : i1 to i32
    %cond3A = arith.constant 0 : i32
    %cond3A_3 = arith.cmpi ne, %convert_element_type3A, %cond3A : i32
    scf.if %cond3A_3 {
      tpu.enqueue_dma source(%arg3 : memref<4096xf32, #tpu.memory_space<hbm>>) target(%arg7 : memref<4096xf32, #tpu.memory_space<vmem>>) target_semaphore(%arg11 : memref<!tpu.dma_semaphore, #tpu.memory_space<semaphore_mem>>)
      tpu.enqueue_dma source(%arg4 : memref<4096xi32, #tpu.memory_space<hbm>>) target(%arg6 : memref<4096xi32, #tpu.memory_space<vmem>>) target_semaphore(%arg10 : memref<!tpu.dma_semaphore, #tpu.memory_space<semaphore_mem>>)
      tpu.wait_dma2 semaphore(%arg10 : memref<!tpu.dma_semaphore, #tpu.memory_space<semaphore_mem>>) src(%arg4 : memref<4096xi32, #tpu.memory_space<hbm>>) dst(%arg6 : memref<4096xi32, #tpu.memory_space<vmem>>)
      %dma_start3A = arith.constant 0 : i32
      %dma_start3A_4 = tpu.memref_slice %arg8[%dma_start3A] : memref<4096xf32, #tpu.memory_space<vmem>> -> memref<1024xf32, #tpu.memory_space<vmem>>
      %dma_start3A_5 = arith.constant 0 : i32
      %dma_start3A_6 = tpu.memref_slice %arg6[%dma_start3A_5] : memref<4096xi32, #tpu.memory_space<vmem>> -> memref<1024xi32, #tpu.memory_space<vmem>>
      %dma_start3A_7 = arith.constant 0 : i32
      %dma_start3A_8 = tpu.memref_slice %arg2[%dma_start3A_7] : memref<8192xf32, #tpu.memory_space<hbm>> -> memref<8192xf32, #tpu.memory_space<hbm>>
      tpu.enqueue_indirect_dma source(%dma_start3A_8 : memref<8192xf32, #tpu.memory_space<hbm>>) target(%dma_start3A_4 : memref<1024xf32, #tpu.memory_space<vmem>>) offsets(%dma_start3A_6 : memref<1024xi32, #tpu.memory_space<vmem>>) semaphore(%arg10 : memref<!tpu.dma_semaphore, #tpu.memory_space<semaphore_mem>>)
      %dma_start3A_9 = arith.constant 1024 : i32
      %dma_start3A_10 = tpu.memref_slice %arg8[%dma_start3A_9] : memref<4096xf32, #tpu.memory_space<vmem>> -> memref<1024xf32, #tpu.memory_space<vmem>>
      %dma_start3A_11 = arith.constant 1024 : i32
      %dma_start3A_12 = tpu.memref_slice %arg6[%dma_start3A_11] : memref<4096xi32, #tpu.memory_space<vmem>> -> memref<1024xi32, #tpu.memory_space<vmem>>
      %dma_start3A_13 = arith.constant 0 : i32
      %dma_start3A_14 = tpu.memref_slice %arg2[%dma_start3A_13] : memref<8192xf32, #tpu.memory_space<hbm>> -> memref<8192xf32, #tpu.memory_space<hbm>>
      tpu.enqueue_indirect_dma source(%dma_start3A_14 : memref<8192xf32, #tpu.memory_space<hbm>>) target(%dma_start3A_10 : memref<1024xf32, #tpu.memory_space<vmem>>) offsets(%dma_start3A_12 : memref<1024xi32, #tpu.memory_space<vmem>>) semaphore(%arg10 : memref<!tpu.dma_semaphore, #tpu.memory_space<semaphore_mem>>)
      %dma_start3A_15 = arith.constant 2048 : i32
      %dma_start3A_16 = tpu.memref_slice %arg8[%dma_start3A_15] : memref<4096xf32, #tpu.memory_space<vmem>> -> memref<1024xf32, #tpu.memory_space<vmem>>
      %dma_start3A_17 = arith.constant 2048 : i32
      %dma_start3A_18 = tpu.memref_slice %arg6[%dma_start3A_17] : memref<4096xi32, #tpu.memory_space<vmem>> -> memref<1024xi32, #tpu.memory_space<vmem>>
      %dma_start3A_19 = arith.constant 0 : i32
      %dma_start3A_20 = tpu.memref_slice %arg2[%dma_start3A_19] : memref<8192xf32, #tpu.memory_space<hbm>> -> memref<8192xf32, #tpu.memory_space<hbm>>
      tpu.enqueue_indirect_dma source(%dma_start3A_20 : memref<8192xf32, #tpu.memory_space<hbm>>) target(%dma_start3A_16 : memref<1024xf32, #tpu.memory_space<vmem>>) offsets(%dma_start3A_18 : memref<1024xi32, #tpu.memory_space<vmem>>) semaphore(%arg10 : memref<!tpu.dma_semaphore, #tpu.memory_space<semaphore_mem>>)
      %dma_start3A_21 = arith.constant 3072 : i32
      %dma_start3A_22 = tpu.memref_slice %arg8[%dma_start3A_21] : memref<4096xf32, #tpu.memory_space<vmem>> -> memref<1024xf32, #tpu.memory_space<vmem>>
      %dma_start3A_23 = arith.constant 3072 : i32
      %dma_start3A_24 = tpu.memref_slice %arg6[%dma_start3A_23] : memref<4096xi32, #tpu.memory_space<vmem>> -> memref<1024xi32, #tpu.memory_space<vmem>>
      %dma_start3A_25 = arith.constant 0 : i32
      %dma_start3A_26 = tpu.memref_slice %arg2[%dma_start3A_25] : memref<8192xf32, #tpu.memory_space<hbm>> -> memref<8192xf32, #tpu.memory_space<hbm>>
      tpu.enqueue_indirect_dma source(%dma_start3A_26 : memref<8192xf32, #tpu.memory_space<hbm>>) target(%dma_start3A_22 : memref<1024xf32, #tpu.memory_space<vmem>>) offsets(%dma_start3A_24 : memref<1024xi32, #tpu.memory_space<vmem>>) semaphore(%arg10 : memref<!tpu.dma_semaphore, #tpu.memory_space<semaphore_mem>>)
      tpu.wait_dma2 semaphore(%arg11 : memref<!tpu.dma_semaphore, #tpu.memory_space<semaphore_mem>>) src(%arg3 : memref<4096xf32, #tpu.memory_space<hbm>>) dst(%arg7 : memref<4096xf32, #tpu.memory_space<vmem>>)
      %broadcast_in_dim3A = arith.constant -1.000000e+30 : f32
      %broadcast_in_dim3A_27 = vector.broadcast %broadcast_in_dim3A : f32 to vector<16xf32>
      %broadcast_in_dim3A_28 = arith.constant 0 : i32
      %broadcast_in_dim3A_29 = vector.broadcast %broadcast_in_dim3A_28 : i32 to vector<16xi32>
      %dma_wait3A = arith.constant 0 : i32
      %dma_wait3A_30 = tpu.memref_slice %arg8[%dma_wait3A] : memref<4096xf32, #tpu.memory_space<vmem>> -> memref<1024xf32, #tpu.memory_space<vmem>>
      %dma_wait3A_31 = arith.constant 0 : i32
      %dma_wait3A_32 = tpu.memref_slice %arg6[%dma_wait3A_31] : memref<4096xi32, #tpu.memory_space<vmem>> -> memref<1024xi32, #tpu.memory_space<vmem>>
      %dma_wait3A_33 = arith.constant 0 : i32
      %dma_wait3A_34 = tpu.memref_slice %arg2[%dma_wait3A_33] : memref<8192xf32, #tpu.memory_space<hbm>> -> memref<8192xf32, #tpu.memory_space<hbm>>
      tpu.wait_indirect_dma semaphore(%arg10 : memref<!tpu.dma_semaphore, #tpu.memory_space<semaphore_mem>>) src(%dma_wait3A_34 : memref<8192xf32, #tpu.memory_space<hbm>>) dst(%dma_wait3A_30 : memref<1024xf32, #tpu.memory_space<vmem>>)
      %scan3A = arith.constant 0 : i32
      %scan3A_35 = arith.constant 16 : i32
      %scan3A_36 = arith.addi %scan3A, %scan3A_35 : i32
      %scan3A_37 = arith.constant 1 : i32
      %scan3A_38:2 = scf.for %scan3A_91 = %scan3A to %scan3A_36 step %scan3A_37 iter_args(%scan3A_92 = %broadcast_in_dim3A_27, %scan3A_93 = %broadcast_in_dim3A_29) -> (vector<16xf32>, vector<16xi32>)  : i32 {
        %mul3A = arith.constant 64 : i32
        %mul3A_94 = arith.muli %scan3A_91, %mul3A : i32
        %add3A = arith.constant 0 : i32
        %add3A_95 = arith.addi %mul3A_94, %add3A : i32
        %get3A = arith.index_cast %add3A_95 : i32 to index
        %get3A_96 = tpu.vector_load %arg8[%get3A] {strides = array<i32>} : memref<4096xf32, #tpu.memory_space<vmem>>, vector<16xf32>,
        %get3A_97 = arith.index_cast %add3A_95 : i32 to index
        %get3A_98 = tpu.vector_load %arg7[%get3A_97] {strides = array<i32>} : memref<4096xf32, #tpu.memory_space<vmem>>, vector<16xf32>,
        %mul3A_99 = arith.constant 3.000000e-01 : f32
        %mul3A_100 = vector.broadcast %mul3A_99 : f32 to vector<16xf32>
        %mul3A_101 = arith.mulf %mul3A_100, %get3A_98 : vector<16xf32>
        %add3A_102 = arith.addf %get3A_96, %mul3A_101 : vector<16xf32>
        %iota3A = tpu.iota {dimensions = array<i32: 0>} : vector<16xi32>
        %add3A_103 = vector.broadcast %add3A_95 : i32 to vector<16xi32>
        %add3A_104 = arith.addi %add3A_103, %iota3A : vector<16xi32>
        %gt3A = arith.cmpf ogt, %add3A_102, %scan3A_92 : vector<16xf32>
        %select_n3A_105 = arith.select %gt3A, %add3A_102, %scan3A_92 : vector<16xi1>, vector<16xf32>
        %select_n3A_106 = arith.select %gt3A, %add3A_104, %scan3A_93 : vector<16xi1>, vector<16xi32>
        %mul3A_107 = arith.constant 64 : i32
        %mul3A_108 = arith.muli %scan3A_91, %mul3A_107 : i32
        %add3A_109 = arith.constant 16 : i32
        %add3A_110 = arith.addi %mul3A_108, %add3A_109 : i32
        %get3A_111 = arith.index_cast %add3A_110 : i32 to index
        %get3A_112 = tpu.vector_load %arg8[%get3A_111] {strides = array<i32>} : memref<4096xf32, #tpu.memory_space<vmem>>, vector<16xf32>,
        %get3A_113 = arith.index_cast %add3A_110 : i32 to index
        %get3A_114 = tpu.vector_load %arg7[%get3A_113] {strides = array<i32>} : memref<4096xf32, #tpu.memory_space<vmem>>, vector<16xf32>,
        %mul3A_115 = arith.constant 3.000000e-01 : f32
        %mul3A_116 = vector.broadcast %mul3A_115 : f32 to vector<16xf32>
        %mul3A_117 = arith.mulf %mul3A_116, %get3A_114 : vector<16xf32>
        %add3A_118 = arith.addf %get3A_112, %mul3A_117 : vector<16xf32>
        %iota3A_119 = tpu.iota {dimensions = array<i32: 0>} : vector<16xi32>
        %add3A_120 = vector.broadcast %add3A_110 : i32 to vector<16xi32>
        %add3A_121 = arith.addi %add3A_120, %iota3A_119 : vector<16xi32>
        %gt3A_122 = arith.cmpf ogt, %add3A_118, %select_n3A_105 : vector<16xf32>
        %select_n3A_123 = arith.select %gt3A_122, %add3A_118, %select_n3A_105 : vector<16xi1>, vector<16xf32>
        %select_n3A_124 = arith.select %gt3A_122, %add3A_121, %select_n3A_106 : vector<16xi1>, vector<16xi32>
        %mul3A_125 = arith.constant 64 : i32
        %mul3A_126 = arith.muli %scan3A_91, %mul3A_125 : i32
        %add3A_127 = arith.constant 32 : i32
        %add3A_128 = arith.addi %mul3A_126, %add3A_127 : i32
        %get3A_129 = arith.index_cast %add3A_128 : i32 to index
        %get3A_130 = tpu.vector_load %arg8[%get3A_129] {strides = array<i32>} : memref<4096xf32, #tpu.memory_space<vmem>>, vector<16xf32>,
        %get3A_131 = arith.index_cast %add3A_128 : i32 to index
        %get3A_132 = tpu.vector_load %arg7[%get3A_131] {strides = array<i32>} : memref<4096xf32, #tpu.memory_space<vmem>>, vector<16xf32>,
        %mul3A_133 = arith.constant 3.000000e-01 : f32
        %mul3A_134 = vector.broadcast %mul3A_133 : f32 to vector<16xf32>
        %mul3A_135 = arith.mulf %mul3A_134, %get3A_132 : vector<16xf32>
        %add3A_136 = arith.addf %get3A_130, %mul3A_135 : vector<16xf32>
        %iota3A_137 = tpu.iota {dimensions = array<i32: 0>} : vector<16xi32>
        %add3A_138 = vector.broadcast %add3A_128 : i32 to vector<16xi32>
        %add3A_139 = arith.addi %add3A_138, %iota3A_137 : vector<16xi32>
        %gt3A_140 = arith.cmpf ogt, %add3A_136, %select_n3A_123 : vector<16xf32>
        %select_n3A_141 = arith.select %gt3A_140, %add3A_136, %select_n3A_123 : vector<16xi1>, vector<16xf32>
        %select_n3A_142 = arith.select %gt3A_140, %add3A_139, %select_n3A_124 : vector<16xi1>, vector<16xi32>
        %mul3A_143 = arith.constant 64 : i32
        %mul3A_144 = arith.muli %scan3A_91, %mul3A_143 : i32
        %add3A_145 = arith.constant 48 : i32
        %add3A_146 = arith.addi %mul3A_144, %add3A_145 : i32
        %get3A_147 = arith.index_cast %add3A_146 : i32 to index
        %get3A_148 = tpu.vector_load %arg8[%get3A_147] {strides = array<i32>} : memref<4096xf32, #tpu.memory_space<vmem>>, vector<16xf32>,
        %get3A_149 = arith.index_cast %add3A_146 : i32 to index
        %get3A_150 = tpu.vector_load %arg7[%get3A_149] {strides = array<i32>} : memref<4096xf32, #tpu.memory_space<vmem>>, vector<16xf32>,
        %mul3A_151 = arith.constant 3.000000e-01 : f32
        %mul3A_152 = vector.broadcast %mul3A_151 : f32 to vector<16xf32>
        %mul3A_153 = arith.mulf %mul3A_152, %get3A_150 : vector<16xf32>
        %add3A_154 = arith.addf %get3A_148, %mul3A_153 : vector<16xf32>
        %iota3A_155 = tpu.iota {dimensions = array<i32: 0>} : vector<16xi32>
        %add3A_156 = vector.broadcast %add3A_146 : i32 to vector<16xi32>
        %add3A_157 = arith.addi %add3A_156, %iota3A_155 : vector<16xi32>
        %gt3A_158 = arith.cmpf ogt, %add3A_154, %select_n3A_141 : vector<16xf32>
        %select_n3A_159 = arith.select %gt3A_158, %add3A_154, %select_n3A_141 : vector<16xi1>, vector<16xf32>
        %select_n3A_160 = arith.select %gt3A_158, %add3A_157, %select_n3A_142 : vector<16xi1>, vector<16xi32>
        scf.yield %select_n3A_159, %select_n3A_160 : vector<16xf32>, vector<16xi32>
      }
      %scan3A_39 = arith.constant 16 : i32
      %dma_wait3A_40 = arith.constant 1024 : i32
      %dma_wait3A_41 = tpu.memref_slice %arg8[%dma_wait3A_40] : memref<4096xf32, #tpu.memory_space<vmem>> -> memref<1024xf32, #tpu.memory_space<vmem>>
      %dma_wait3A_42 = arith.constant 1024 : i32
      %dma_wait3A_43 = tpu.memref_slice %arg6[%dma_wait3A_42] : memref<4096xi32, #tpu.memory_space<vmem>> -> memref<1024xi32, #tpu.memory_space<vmem>>
      %dma_wait3A_44 = arith.constant 0 : i32
      %dma_wait3A_45 = tpu.memref_slice %arg2[%dma_wait3A_44] : memref<8192xf32, #tpu.memory_space<hbm>> -> memref<8192xf32, #tpu.memory_space<hbm>>
      tpu.wait_indirect_dma semaphore(%arg10 : memref<!tpu.dma_semaphore, #tpu.memory_space<semaphore_mem>>) src(%dma_wait3A_45 : memref<8192xf32, #tpu.memory_space<hbm>>) dst(%dma_wait3A_41 : memref<1024xf32, #tpu.memory_space<vmem>>)
      %scan3A_46 = arith.constant 16 : i32
      %scan3A_47 = arith.constant 16 : i32
      %scan3A_48 = arith.addi %scan3A_46, %scan3A_47 : i32
      %scan3A_49 = arith.constant 1 : i32
      %scan3A_50:2 = scf.for %scan3A_91 = %scan3A_46 to %scan3A_48 step %scan3A_49 iter_args(%scan3A_92 = %scan3A_38#0, %scan3A_93 = %scan3A_38#1) -> (vector<16xf32>, vector<16xi32>)  : i32 {
        %mul3A = arith.constant 64 : i32
        %mul3A_94 = arith.muli %scan3A_91, %mul3A : i32
        %add3A = arith.constant 0 : i32
        %add3A_95 = arith.addi %mul3A_94, %add3A : i32
        %get3A = arith.index_cast %add3A_95 : i32 to index
        %get3A_96 = tpu.vector_load %arg8[%get3A] {strides = array<i32>} : memref<4096xf32, #tpu.memory_space<vmem>>, vector<16xf32>,
        %get3A_97 = arith.index_cast %add3A_95 : i32 to index
        %get3A_98 = tpu.vector_load %arg7[%get3A_97] {strides = array<i32>} : memref<4096xf32, #tpu.memory_space<vmem>>, vector<16xf32>,
        %mul3A_99 = arith.constant 3.000000e-01 : f32
        %mul3A_100 = vector.broadcast %mul3A_99 : f32 to vector<16xf32>
        %mul3A_101 = arith.mulf %mul3A_100, %get3A_98 : vector<16xf32>
        %add3A_102 = arith.addf %get3A_96, %mul3A_101 : vector<16xf32>
        %iota3A = tpu.iota {dimensions = array<i32: 0>} : vector<16xi32>
        %add3A_103 = vector.broadcast %add3A_95 : i32 to vector<16xi32>
        %add3A_104 = arith.addi %add3A_103, %iota3A : vector<16xi32>
        %gt3A = arith.cmpf ogt, %add3A_102, %scan3A_92 : vector<16xf32>
        %select_n3A_105 = arith.select %gt3A, %add3A_102, %scan3A_92 : vector<16xi1>, vector<16xf32>
        %select_n3A_106 = arith.select %gt3A, %add3A_104, %scan3A_93 : vector<16xi1>, vector<16xi32>
        %mul3A_107 = arith.constant 64 : i32
        %mul3A_108 = arith.muli %scan3A_91, %mul3A_107 : i32
        %add3A_109 = arith.constant 16 : i32
        %add3A_110 = arith.addi %mul3A_108, %add3A_109 : i32
        %get3A_111 = arith.index_cast %add3A_110 : i32 to index
        %get3A_112 = tpu.vector_load %arg8[%get3A_111] {strides = array<i32>} : memref<4096xf32, #tpu.memory_space<vmem>>, vector<16xf32>,
        %get3A_113 = arith.index_cast %add3A_110 : i32 to index
        %get3A_114 = tpu.vector_load %arg7[%get3A_113] {strides = array<i32>} : memref<4096xf32, #tpu.memory_space<vmem>>, vector<16xf32>,
        %mul3A_115 = arith.constant 3.000000e-01 : f32
        %mul3A_116 = vector.broadcast %mul3A_115 : f32 to vector<16xf32>
        %mul3A_117 = arith.mulf %mul3A_116, %get3A_114 : vector<16xf32>
        %add3A_118 = arith.addf %get3A_112, %mul3A_117 : vector<16xf32>
        %iota3A_119 = tpu.iota {dimensions = array<i32: 0>} : vector<16xi32>
        %add3A_120 = vector.broadcast %add3A_110 : i32 to vector<16xi32>
        %add3A_121 = arith.addi %add3A_120, %iota3A_119 : vector<16xi32>
        %gt3A_122 = arith.cmpf ogt, %add3A_118, %select_n3A_105 : vector<16xf32>
        %select_n3A_123 = arith.select %gt3A_122, %add3A_118, %select_n3A_105 : vector<16xi1>, vector<16xf32>
        %select_n3A_124 = arith.select %gt3A_122, %add3A_121, %select_n3A_106 : vector<16xi1>, vector<16xi32>
        %mul3A_125 = arith.constant 64 : i32
        %mul3A_126 = arith.muli %scan3A_91, %mul3A_125 : i32
        %add3A_127 = arith.constant 32 : i32
        %add3A_128 = arith.addi %mul3A_126, %add3A_127 : i32
        %get3A_129 = arith.index_cast %add3A_128 : i32 to index
        %get3A_130 = tpu.vector_load %arg8[%get3A_129] {strides = array<i32>} : memref<4096xf32, #tpu.memory_space<vmem>>, vector<16xf32>,
        %get3A_131 = arith.index_cast %add3A_128 : i32 to index
        %get3A_132 = tpu.vector_load %arg7[%get3A_131] {strides = array<i32>} : memref<4096xf32, #tpu.memory_space<vmem>>, vector<16xf32>,
        %mul3A_133 = arith.constant 3.000000e-01 : f32
        %mul3A_134 = vector.broadcast %mul3A_133 : f32 to vector<16xf32>
        %mul3A_135 = arith.mulf %mul3A_134, %get3A_132 : vector<16xf32>
        %add3A_136 = arith.addf %get3A_130, %mul3A_135 : vector<16xf32>
        %iota3A_137 = tpu.iota {dimensions = array<i32: 0>} : vector<16xi32>
        %add3A_138 = vector.broadcast %add3A_128 : i32 to vector<16xi32>
        %add3A_139 = arith.addi %add3A_138, %iota3A_137 : vector<16xi32>
        %gt3A_140 = arith.cmpf ogt, %add3A_136, %select_n3A_123 : vector<16xf32>
        %select_n3A_141 = arith.select %gt3A_140, %add3A_136, %select_n3A_123 : vector<16xi1>, vector<16xf32>
        %select_n3A_142 = arith.select %gt3A_140, %add3A_139, %select_n3A_124 : vector<16xi1>, vector<16xi32>
        %mul3A_143 = arith.constant 64 : i32
        %mul3A_144 = arith.muli %scan3A_91, %mul3A_143 : i32
        %add3A_145 = arith.constant 48 : i32
        %add3A_146 = arith.addi %mul3A_144, %add3A_145 : i32
        %get3A_147 = arith.index_cast %add3A_146 : i32 to index
        %get3A_148 = tpu.vector_load %arg8[%get3A_147] {strides = array<i32>} : memref<4096xf32, #tpu.memory_space<vmem>>, vector<16xf32>,
        %get3A_149 = arith.index_cast %add3A_146 : i32 to index
        %get3A_150 = tpu.vector_load %arg7[%get3A_149] {strides = array<i32>} : memref<4096xf32, #tpu.memory_space<vmem>>, vector<16xf32>,
        %mul3A_151 = arith.constant 3.000000e-01 : f32
        %mul3A_152 = vector.broadcast %mul3A_151 : f32 to vector<16xf32>
        %mul3A_153 = arith.mulf %mul3A_152, %get3A_150 : vector<16xf32>
        %add3A_154 = arith.addf %get3A_148, %mul3A_153 : vector<16xf32>
        %iota3A_155 = tpu.iota {dimensions = array<i32: 0>} : vector<16xi32>
        %add3A_156 = vector.broadcast %add3A_146 : i32 to vector<16xi32>
        %add3A_157 = arith.addi %add3A_156, %iota3A_155 : vector<16xi32>
        %gt3A_158 = arith.cmpf ogt, %add3A_154, %select_n3A_141 : vector<16xf32>
        %select_n3A_159 = arith.select %gt3A_158, %add3A_154, %select_n3A_141 : vector<16xi1>, vector<16xf32>
        %select_n3A_160 = arith.select %gt3A_158, %add3A_157, %select_n3A_142 : vector<16xi1>, vector<16xi32>
        scf.yield %select_n3A_159, %select_n3A_160 : vector<16xf32>, vector<16xi32>
      }
      %scan3A_51 = arith.constant 16 : i32
      %dma_wait3A_52 = arith.constant 2048 : i32
      %dma_wait3A_53 = tpu.memref_slice %arg8[%dma_wait3A_52] : memref<4096xf32, #tpu.memory_space<vmem>> -> memref<1024xf32, #tpu.memory_space<vmem>>
      %dma_wait3A_54 = arith.constant 2048 : i32
      %dma_wait3A_55 = tpu.memref_slice %arg6[%dma_wait3A_54] : memref<4096xi32, #tpu.memory_space<vmem>> -> memref<1024xi32, #tpu.memory_space<vmem>>
      %dma_wait3A_56 = arith.constant 0 : i32
      %dma_wait3A_57 = tpu.memref_slice %arg2[%dma_wait3A_56] : memref<8192xf32, #tpu.memory_space<hbm>> -> memref<8192xf32, #tpu.memory_space<hbm>>
      tpu.wait_indirect_dma semaphore(%arg10 : memref<!tpu.dma_semaphore, #tpu.memory_space<semaphore_mem>>) src(%dma_wait3A_57 : memref<8192xf32, #tpu.memory_space<hbm>>) dst(%dma_wait3A_53 : memref<1024xf32, #tpu.memory_space<vmem>>)
      %scan3A_58 = arith.constant 32 : i32
      %scan3A_59 = arith.constant 16 : i32
      %scan3A_60 = arith.addi %scan3A_58, %scan3A_59 : i32
      %scan3A_61 = arith.constant 1 : i32
      %scan3A_62:2 = scf.for %scan3A_91 = %scan3A_58 to %scan3A_60 step %scan3A_61 iter_args(%scan3A_92 = %scan3A_50#0, %scan3A_93 = %scan3A_50#1) -> (vector<16xf32>, vector<16xi32>)  : i32 {
        %mul3A = arith.constant 64 : i32
        %mul3A_94 = arith.muli %scan3A_91, %mul3A : i32
        %add3A = arith.constant 0 : i32
        %add3A_95 = arith.addi %mul3A_94, %add3A : i32
        %get3A = arith.index_cast %add3A_95 : i32 to index
        %get3A_96 = tpu.vector_load %arg8[%get3A] {strides = array<i32>} : memref<4096xf32, #tpu.memory_space<vmem>>, vector<16xf32>,
        %get3A_97 = arith.index_cast %add3A_95 : i32 to index
        %get3A_98 = tpu.vector_load %arg7[%get3A_97] {strides = array<i32>} : memref<4096xf32, #tpu.memory_space<vmem>>, vector<16xf32>,
        %mul3A_99 = arith.constant 3.000000e-01 : f32
        %mul3A_100 = vector.broadcast %mul3A_99 : f32 to vector<16xf32>
        %mul3A_101 = arith.mulf %mul3A_100, %get3A_98 : vector<16xf32>
        %add3A_102 = arith.addf %get3A_96, %mul3A_101 : vector<16xf32>
        %iota3A = tpu.iota {dimensions = array<i32: 0>} : vector<16xi32>
        %add3A_103 = vector.broadcast %add3A_95 : i32 to vector<16xi32>
        %add3A_104 = arith.addi %add3A_103, %iota3A : vector<16xi32>
        %gt3A = arith.cmpf ogt, %add3A_102, %scan3A_92 : vector<16xf32>
        %select_n3A_105 = arith.select %gt3A, %add3A_102, %scan3A_92 : vector<16xi1>, vector<16xf32>
        %select_n3A_106 = arith.select %gt3A, %add3A_104, %scan3A_93 : vector<16xi1>, vector<16xi32>
        %mul3A_107 = arith.constant 64 : i32
        %mul3A_108 = arith.muli %scan3A_91, %mul3A_107 : i32
        %add3A_109 = arith.constant 16 : i32
        %add3A_110 = arith.addi %mul3A_108, %add3A_109 : i32
        %get3A_111 = arith.index_cast %add3A_110 : i32 to index
        %get3A_112 = tpu.vector_load %arg8[%get3A_111] {strides = array<i32>} : memref<4096xf32, #tpu.memory_space<vmem>>, vector<16xf32>,
        %get3A_113 = arith.index_cast %add3A_110 : i32 to index
        %get3A_114 = tpu.vector_load %arg7[%get3A_113] {strides = array<i32>} : memref<4096xf32, #tpu.memory_space<vmem>>, vector<16xf32>,
        %mul3A_115 = arith.constant 3.000000e-01 : f32
        %mul3A_116 = vector.broadcast %mul3A_115 : f32 to vector<16xf32>
        %mul3A_117 = arith.mulf %mul3A_116, %get3A_114 : vector<16xf32>
        %add3A_118 = arith.addf %get3A_112, %mul3A_117 : vector<16xf32>
        %iota3A_119 = tpu.iota {dimensions = array<i32: 0>} : vector<16xi32>
        %add3A_120 = vector.broadcast %add3A_110 : i32 to vector<16xi32>
        %add3A_121 = arith.addi %add3A_120, %iota3A_119 : vector<16xi32>
        %gt3A_122 = arith.cmpf ogt, %add3A_118, %select_n3A_105 : vector<16xf32>
        %select_n3A_123 = arith.select %gt3A_122, %add3A_118, %select_n3A_105 : vector<16xi1>, vector<16xf32>
        %select_n3A_124 = arith.select %gt3A_122, %add3A_121, %select_n3A_106 : vector<16xi1>, vector<16xi32>
        %mul3A_125 = arith.constant 64 : i32
        %mul3A_126 = arith.muli %scan3A_91, %mul3A_125 : i32
        %add3A_127 = arith.constant 32 : i32
        %add3A_128 = arith.addi %mul3A_126, %add3A_127 : i32
        %get3A_129 = arith.index_cast %add3A_128 : i32 to index
        %get3A_130 = tpu.vector_load %arg8[%get3A_129] {strides = array<i32>} : memref<4096xf32, #tpu.memory_space<vmem>>, vector<16xf32>,
        %get3A_131 = arith.index_cast %add3A_128 : i32 to index
        %get3A_132 = tpu.vector_load %arg7[%get3A_131] {strides = array<i32>} : memref<4096xf32, #tpu.memory_space<vmem>>, vector<16xf32>,
        %mul3A_133 = arith.constant 3.000000e-01 : f32
        %mul3A_134 = vector.broadcast %mul3A_133 : f32 to vector<16xf32>
        %mul3A_135 = arith.mulf %mul3A_134, %get3A_132 : vector<16xf32>
        %add3A_136 = arith.addf %get3A_130, %mul3A_135 : vector<16xf32>
        %iota3A_137 = tpu.iota {dimensions = array<i32: 0>} : vector<16xi32>
        %add3A_138 = vector.broadcast %add3A_128 : i32 to vector<16xi32>
        %add3A_139 = arith.addi %add3A_138, %iota3A_137 : vector<16xi32>
        %gt3A_140 = arith.cmpf ogt, %add3A_136, %select_n3A_123 : vector<16xf32>
        %select_n3A_141 = arith.select %gt3A_140, %add3A_136, %select_n3A_123 : vector<16xi1>, vector<16xf32>
        %select_n3A_142 = arith.select %gt3A_140, %add3A_139, %select_n3A_124 : vector<16xi1>, vector<16xi32>
        %mul3A_143 = arith.constant 64 : i32
        %mul3A_144 = arith.muli %scan3A_91, %mul3A_143 : i32
        %add3A_145 = arith.constant 48 : i32
        %add3A_146 = arith.addi %mul3A_144, %add3A_145 : i32
        %get3A_147 = arith.index_cast %add3A_146 : i32 to index
        %get3A_148 = tpu.vector_load %arg8[%get3A_147] {strides = array<i32>} : memref<4096xf32, #tpu.memory_space<vmem>>, vector<16xf32>,
        %get3A_149 = arith.index_cast %add3A_146 : i32 to index
        %get3A_150 = tpu.vector_load %arg7[%get3A_149] {strides = array<i32>} : memref<4096xf32, #tpu.memory_space<vmem>>, vector<16xf32>,
        %mul3A_151 = arith.constant 3.000000e-01 : f32
        %mul3A_152 = vector.broadcast %mul3A_151 : f32 to vector<16xf32>
        %mul3A_153 = arith.mulf %mul3A_152, %get3A_150 : vector<16xf32>
        %add3A_154 = arith.addf %get3A_148, %mul3A_153 : vector<16xf32>
        %iota3A_155 = tpu.iota {dimensions = array<i32: 0>} : vector<16xi32>
        %add3A_156 = vector.broadcast %add3A_146 : i32 to vector<16xi32>
        %add3A_157 = arith.addi %add3A_156, %iota3A_155 : vector<16xi32>
        %gt3A_158 = arith.cmpf ogt, %add3A_154, %select_n3A_141 : vector<16xf32>
        %select_n3A_159 = arith.select %gt3A_158, %add3A_154, %select_n3A_141 : vector<16xi1>, vector<16xf32>
        %select_n3A_160 = arith.select %gt3A_158, %add3A_157, %select_n3A_142 : vector<16xi1>, vector<16xi32>
        scf.yield %select_n3A_159, %select_n3A_160 : vector<16xf32>, vector<16xi32>
      }
      %scan3A_63 = arith.constant 16 : i32
      %dma_wait3A_64 = arith.constant 3072 : i32
      %dma_wait3A_65 = tpu.memref_slice %arg8[%dma_wait3A_64] : memref<4096xf32, #tpu.memory_space<vmem>> -> memref<1024xf32, #tpu.memory_space<vmem>>
      %dma_wait3A_66 = arith.constant 3072 : i32
      %dma_wait3A_67 = tpu.memref_slice %arg6[%dma_wait3A_66] : memref<4096xi32, #tpu.memory_space<vmem>> -> memref<1024xi32, #tpu.memory_space<vmem>>
      %dma_wait3A_68 = arith.constant 0 : i32
      %dma_wait3A_69 = tpu.memref_slice %arg2[%dma_wait3A_68] : memref<8192xf32, #tpu.memory_space<hbm>> -> memref<8192xf32, #tpu.memory_space<hbm>>
      tpu.wait_indirect_dma semaphore(%arg10 : memref<!tpu.dma_semaphore, #tpu.memory_space<semaphore_mem>>) src(%dma_wait3A_69 : memref<8192xf32, #tpu.memory_space<hbm>>) dst(%dma_wait3A_65 : memref<1024xf32, #tpu.memory_space<vmem>>)
      %scan3A_70 = arith.constant 48 : i32
      %scan3A_71 = arith.constant 16 : i32
      %scan3A_72 = arith.addi %scan3A_70, %scan3A_71 : i32
      %scan3A_73 = arith.constant 1 : i32
      %scan3A_74:2 = scf.for %scan3A_91 = %scan3A_70 to %scan3A_72 step %scan3A_73 iter_args(%scan3A_92 = %scan3A_62#0, %scan3A_93 = %scan3A_62#1) -> (vector<16xf32>, vector<16xi32>)  : i32 {
        %mul3A = arith.constant 64 : i32
        %mul3A_94 = arith.muli %scan3A_91, %mul3A : i32
        %add3A = arith.constant 0 : i32
        %add3A_95 = arith.addi %mul3A_94, %add3A : i32
        %get3A = arith.index_cast %add3A_95 : i32 to index
        %get3A_96 = tpu.vector_load %arg8[%get3A] {strides = array<i32>} : memref<4096xf32, #tpu.memory_space<vmem>>, vector<16xf32>,
        %get3A_97 = arith.index_cast %add3A_95 : i32 to index
        %get3A_98 = tpu.vector_load %arg7[%get3A_97] {strides = array<i32>} : memref<4096xf32, #tpu.memory_space<vmem>>, vector<16xf32>,
        %mul3A_99 = arith.constant 3.000000e-01 : f32
        %mul3A_100 = vector.broadcast %mul3A_99 : f32 to vector<16xf32>
        %mul3A_101 = arith.mulf %mul3A_100, %get3A_98 : vector<16xf32>
        %add3A_102 = arith.addf %get3A_96, %mul3A_101 : vector<16xf32>
        %iota3A = tpu.iota {dimensions = array<i32: 0>} : vector<16xi32>
        %add3A_103 = vector.broadcast %add3A_95 : i32 to vector<16xi32>
        %add3A_104 = arith.addi %add3A_103, %iota3A : vector<16xi32>
        %gt3A = arith.cmpf ogt, %add3A_102, %scan3A_92 : vector<16xf32>
        %select_n3A_105 = arith.select %gt3A, %add3A_102, %scan3A_92 : vector<16xi1>, vector<16xf32>
        %select_n3A_106 = arith.select %gt3A, %add3A_104, %scan3A_93 : vector<16xi1>, vector<16xi32>
        %mul3A_107 = arith.constant 64 : i32
        %mul3A_108 = arith.muli %scan3A_91, %mul3A_107 : i32
        %add3A_109 = arith.constant 16 : i32
        %add3A_110 = arith.addi %mul3A_108, %add3A_109 : i32
        %get3A_111 = arith.index_cast %add3A_110 : i32 to index
        %get3A_112 = tpu.vector_load %arg8[%get3A_111] {strides = array<i32>} : memref<4096xf32, #tpu.memory_space<vmem>>, vector<16xf32>,
        %get3A_113 = arith.index_cast %add3A_110 : i32 to index
        %get3A_114 = tpu.vector_load %arg7[%get3A_113] {strides = array<i32>} : memref<4096xf32, #tpu.memory_space<vmem>>, vector<16xf32>,
        %mul3A_115 = arith.constant 3.000000e-01 : f32
        %mul3A_116 = vector.broadcast %mul3A_115 : f32 to vector<16xf32>
        %mul3A_117 = arith.mulf %mul3A_116, %get3A_114 : vector<16xf32>
        %add3A_118 = arith.addf %get3A_112, %mul3A_117 : vector<16xf32>
        %iota3A_119 = tpu.iota {dimensions = array<i32: 0>} : vector<16xi32>
        %add3A_120 = vector.broadcast %add3A_110 : i32 to vector<16xi32>
        %add3A_121 = arith.addi %add3A_120, %iota3A_119 : vector<16xi32>
        %gt3A_122 = arith.cmpf ogt, %add3A_118, %select_n3A_105 : vector<16xf32>
        %select_n3A_123 = arith.select %gt3A_122, %add3A_118, %select_n3A_105 : vector<16xi1>, vector<16xf32>
        %select_n3A_124 = arith.select %gt3A_122, %add3A_121, %select_n3A_106 : vector<16xi1>, vector<16xi32>
        %mul3A_125 = arith.constant 64 : i32
        %mul3A_126 = arith.muli %scan3A_91, %mul3A_125 : i32
        %add3A_127 = arith.constant 32 : i32
        %add3A_128 = arith.addi %mul3A_126, %add3A_127 : i32
        %get3A_129 = arith.index_cast %add3A_128 : i32 to index
        %get3A_130 = tpu.vector_load %arg8[%get3A_129] {strides = array<i32>} : memref<4096xf32, #tpu.memory_space<vmem>>, vector<16xf32>,
        %get3A_131 = arith.index_cast %add3A_128 : i32 to index
        %get3A_132 = tpu.vector_load %arg7[%get3A_131] {strides = array<i32>} : memref<4096xf32, #tpu.memory_space<vmem>>, vector<16xf32>,
        %mul3A_133 = arith.constant 3.000000e-01 : f32
        %mul3A_134 = vector.broadcast %mul3A_133 : f32 to vector<16xf32>
        %mul3A_135 = arith.mulf %mul3A_134, %get3A_132 : vector<16xf32>
        %add3A_136 = arith.addf %get3A_130, %mul3A_135 : vector<16xf32>
        %iota3A_137 = tpu.iota {dimensions = array<i32: 0>} : vector<16xi32>
        %add3A_138 = vector.broadcast %add3A_128 : i32 to vector<16xi32>
        %add3A_139 = arith.addi %add3A_138, %iota3A_137 : vector<16xi32>
        %gt3A_140 = arith.cmpf ogt, %add3A_136, %select_n3A_123 : vector<16xf32>
        %select_n3A_141 = arith.select %gt3A_140, %add3A_136, %select_n3A_123 : vector<16xi1>, vector<16xf32>
        %select_n3A_142 = arith.select %gt3A_140, %add3A_139, %select_n3A_124 : vector<16xi1>, vector<16xi32>
        %mul3A_143 = arith.constant 64 : i32
        %mul3A_144 = arith.muli %scan3A_91, %mul3A_143 : i32
        %add3A_145 = arith.constant 48 : i32
        %add3A_146 = arith.addi %mul3A_144, %add3A_145 : i32
        %get3A_147 = arith.index_cast %add3A_146 : i32 to index
        %get3A_148 = tpu.vector_load %arg8[%get3A_147] {strides = array<i32>} : memref<4096xf32, #tpu.memory_space<vmem>>, vector<16xf32>,
        %get3A_149 = arith.index_cast %add3A_146 : i32 to index
        %get3A_150 = tpu.vector_load %arg7[%get3A_149] {strides = array<i32>} : memref<4096xf32, #tpu.memory_space<vmem>>, vector<16xf32>,
        %mul3A_151 = arith.constant 3.000000e-01 : f32
        %mul3A_152 = vector.broadcast %mul3A_151 : f32 to vector<16xf32>
        %mul3A_153 = arith.mulf %mul3A_152, %get3A_150 : vector<16xf32>
        %add3A_154 = arith.addf %get3A_148, %mul3A_153 : vector<16xf32>
        %iota3A_155 = tpu.iota {dimensions = array<i32: 0>} : vector<16xi32>
        %add3A_156 = vector.broadcast %add3A_146 : i32 to vector<16xi32>
        %add3A_157 = arith.addi %add3A_156, %iota3A_155 : vector<16xi32>
        %gt3A_158 = arith.cmpf ogt, %add3A_154, %select_n3A_141 : vector<16xf32>
        %select_n3A_159 = arith.select %gt3A_158, %add3A_154, %select_n3A_141 : vector<16xi1>, vector<16xf32>
        %select_n3A_160 = arith.select %gt3A_158, %add3A_157, %select_n3A_142 : vector<16xi1>, vector<16xi32>
        scf.yield %select_n3A_159, %select_n3A_160 : vector<16xf32>, vector<16xi32>
      }
      %scan3A_75 = arith.constant 16 : i32
      %reduce_max3A = arith.constant true
      %reduce_max3A_76 = vector.broadcast %reduce_max3A : i1 to vector<16xi1>
      %reduce_max3A_77 = tpu.scan <max>, %scan3A_74#0 masked %reduce_max3A_76 : vector<16xf32>, vector<16xi1> -> vector<16xf32>
      %reduce_max3A_78 = vector.extract %reduce_max3A_77[15] : f32 from vector<16xf32>
      %eq3A_79 = vector.broadcast %reduce_max3A_78 : f32 to vector<16xf32>
      %eq3A_80 = arith.cmpf oeq, %scan3A_74#0, %eq3A_79 : vector<16xf32>
      %jit3A = arith.constant 2147483647 : i32
      %broadcast_in_dim3A_81 = vector.broadcast %jit3A : i32 to vector<16xi32>
      %select_n3A = arith.select %eq3A_80, %scan3A_74#1, %broadcast_in_dim3A_81 : vector<16xi1>, vector<16xi32>
      %reduce_min3A = arith.constant true
      %reduce_min3A_82 = vector.broadcast %reduce_min3A : i1 to vector<16xi1>
      %reduce_min3A_83 = arith.constant -2147483648 : i32
      %reduce_min3A_84 = vector.broadcast %reduce_min3A_83 : i32 to vector<16xi32>
      %reduce_min3A_85 = arith.xori %select_n3A, %reduce_min3A_84 : vector<16xi32>
      %reduce_min3A_86 = tpu.scan <min>, %reduce_min3A_85 masked %reduce_min3A_82 : vector<16xi32>, vector<16xi1> -> vector<16xi32>
      %reduce_min3A_87 = arith.xori %reduce_min3A_86, %reduce_min3A_84 : vector<16xi32>
      %reduce_min3A_88 = vector.extract %reduce_min3A_87[15] : i32 from vector<16xi32>
      %broadcast_in_dim3A_89 = vector.broadcast %reduce_min3A_88 : i32 to vector<16xi32>
      %swap3A = arith.constant 0 : index
      %swap3A_90 = tpu.vector_load %arg9[%swap3A] {strides = array<i32>} : memref<16xi32, #tpu.memory_space<vmem>>, vector<16xi32>,
      tpu.vector_store %arg9[%swap3A], %broadcast_in_dim3A_89 {strides = array<i32>} : memref<16xi32, #tpu.memory_space<vmem>>, vector<16xi32>,
      "tpu.region"() ({
        %run_scoped3A = tpu.sem_alloc : memref<!tpu.dma_semaphore, #tpu.memory_space<semaphore_mem>>
        tpu.enqueue_dma source(%arg9 : memref<16xi32, #tpu.memory_space<vmem>>) target(%arg5 : memref<16xi32, #tpu.memory_space<hbm>>) target_semaphore(%run_scoped3A : memref<!tpu.dma_semaphore, #tpu.memory_space<semaphore_mem>>)
        tpu.wait_dma2 semaphore(%run_scoped3A : memref<!tpu.dma_semaphore, #tpu.memory_space<semaphore_mem>>) src(%arg9 : memref<16xi32, #tpu.memory_space<vmem>>) dst(%arg5 : memref<16xi32, #tpu.memory_space<hbm>>)
        tpu.yield
      }) : () -> ()
    } else {
    }
    return
  }
}

module attributes {stable_mosaic.version = 14 : i64} {
  func.func @_table_body(%arg0: i32, %arg1: memref<3xi32, #tpu.memory_space<smem>>, %arg2: memref<256x8192xf32, #tpu.memory_space<vmem>>, %arg3: memref<1x8192xf32, #tpu.memory_space<vmem>>, %arg4: memref<1x8192xf32, #tpu.memory_space<vmem>>, %arg5: memref<1x8192xf32, #tpu.memory_space<vmem>>, %arg6: memref<1x8192xf32, #tpu.memory_space<vmem>>, %arg7: memref<1x1xf32, #tpu.memory_space<smem>>) attributes {dimension_semantics = [#tpu.dimension_semantics<arbitrary>], iteration_bounds = array<i64: 8>, scalar_prefetch = 0 : i64, scratch_operands = 3 : i64, tpu.core_type = #tpu.core_type<tc>, window_params = [{transform_indices = @transform_0, window_bounds = array<i64: 3>}, {transform_indices = @transform_1, window_bounds = array<i64: 256, 8192>}, {pipeline_mode = #tpu.pipeline_mode<synchronous>, transform_indices = @transform_2, window_bounds = array<i64: 1, 8192>}, {pipeline_mode = #tpu.pipeline_mode<synchronous>, transform_indices = @transform_3, window_bounds = array<i64: 1, 8192>}]} {
    %get3A = arith.constant 0 : index
    %get3A_0 = arith.constant 0 : index
    %get3A_1 = vector.load %arg2[%get3A, %get3A_0] : memref<256x8192xf32, #tpu.memory_space<vmem>>, vector<256x8192xf32>
    %iota3A = tpu.iota {dimensions = array<i32: 1>} : vector<1x8192xi32>
    %broadcast_in_dim3A = arith.constant 0.000000e+00 : f32
    %broadcast_in_dim3A_2 = vector.broadcast %broadcast_in_dim3A : f32 to vector<1x8192xf32>
    %get3A_3 = arith.constant 0 : index
    %get3A_4 = memref.load %arg1[%get3A_3] : memref<3xi32, #tpu.memory_space<smem>>
    %ge3A = arith.constant 0 : i32
    %ge3A_5 = arith.cmpi sge, %get3A_4, %ge3A : i32
    %lt3A = arith.constant 8192 : i32
    %lt3A_6 = arith.cmpi slt, %get3A_4, %lt3A : i32
    %and3A = arith.andi %ge3A_5, %lt3A_6 : i1
    %eq3A = vector.broadcast %get3A_4 : i32 to vector<1x8192xi32>
    %eq3A_7 = arith.cmpi eq, %iota3A, %eq3A : vector<1x8192xi32>
    %and3A_8 = vector.broadcast %and3A : i1 to vector<1x8192xi1>
    %and3A_9 = arith.andi %and3A_8, %eq3A_7 : vector<1x8192xi1>
    %jit3A = arith.constant 1.000000e+00 : f32
    %jit3A_10 = arith.constant 0.000000e+00 : f32
    %broadcast_in_dim3A_11 = vector.broadcast %jit3A : f32 to vector<1x8192xf32>
    %broadcast_in_dim3A_12 = vector.broadcast %jit3A_10 : f32 to vector<1x8192xf32>
    %select_n3A = arith.select %and3A_9, %broadcast_in_dim3A_11, %broadcast_in_dim3A_12 : vector<1x8192xi1>, vector<1x8192xf32>
    %add3A = arith.addf %broadcast_in_dim3A_2, %select_n3A : vector<1x8192xf32>
    %convert_element_type3A = arith.extui %and3A : i1 to i32
    %add3A_13 = arith.constant 0 : i32
    %add3A_14 = arith.addi %add3A_13, %convert_element_type3A : i32
    %get3A_15 = arith.constant 1 : index
    %get3A_16 = memref.load %arg1[%get3A_15] : memref<3xi32, #tpu.memory_space<smem>>
    %ge3A_17 = arith.constant 0 : i32
    %ge3A_18 = arith.cmpi sge, %get3A_16, %ge3A_17 : i32
    %lt3A_19 = arith.constant 8192 : i32
    %lt3A_20 = arith.cmpi slt, %get3A_16, %lt3A_19 : i32
    %and3A_21 = arith.andi %ge3A_18, %lt3A_20 : i1
    %eq3A_22 = vector.broadcast %get3A_16 : i32 to vector<1x8192xi32>
    %eq3A_23 = arith.cmpi eq, %iota3A, %eq3A_22 : vector<1x8192xi32>
    %and3A_24 = vector.broadcast %and3A_21 : i1 to vector<1x8192xi1>
    %and3A_25 = arith.andi %and3A_24, %eq3A_23 : vector<1x8192xi1>
    %jit3A_26 = arith.constant 1.000000e+00 : f32
    %jit3A_27 = arith.constant 0.000000e+00 : f32
    %broadcast_in_dim3A_28 = vector.broadcast %jit3A_26 : f32 to vector<1x8192xf32>
    %broadcast_in_dim3A_29 = vector.broadcast %jit3A_27 : f32 to vector<1x8192xf32>
    %select_n3A_30 = arith.select %and3A_25, %broadcast_in_dim3A_28, %broadcast_in_dim3A_29 : vector<1x8192xi1>, vector<1x8192xf32>
    %add3A_31 = arith.addf %add3A, %select_n3A_30 : vector<1x8192xf32>
    %convert_element_type3A_32 = arith.extui %and3A_21 : i1 to i32
    %add3A_33 = arith.addi %add3A_14, %convert_element_type3A_32 : i32
    %get3A_34 = arith.constant 2 : index
    %get3A_35 = memref.load %arg1[%get3A_34] : memref<3xi32, #tpu.memory_space<smem>>
    %ge3A_36 = arith.constant 0 : i32
    %ge3A_37 = arith.cmpi sge, %get3A_35, %ge3A_36 : i32
    %lt3A_38 = arith.constant 8192 : i32
    %lt3A_39 = arith.cmpi slt, %get3A_35, %lt3A_38 : i32
    %and3A_40 = arith.andi %ge3A_37, %lt3A_39 : i1
    %eq3A_41 = vector.broadcast %get3A_35 : i32 to vector<1x8192xi32>
    %eq3A_42 = arith.cmpi eq, %iota3A, %eq3A_41 : vector<1x8192xi32>
    %and3A_43 = vector.broadcast %and3A_40 : i1 to vector<1x8192xi1>
    %and3A_44 = arith.andi %and3A_43, %eq3A_42 : vector<1x8192xi1>
    %jit3A_45 = arith.constant 1.000000e+00 : f32
    %jit3A_46 = arith.constant 0.000000e+00 : f32
    %broadcast_in_dim3A_47 = vector.broadcast %jit3A_45 : f32 to vector<1x8192xf32>
    %broadcast_in_dim3A_48 = vector.broadcast %jit3A_46 : f32 to vector<1x8192xf32>
    %select_n3A_49 = arith.select %and3A_44, %broadcast_in_dim3A_47, %broadcast_in_dim3A_48 : vector<1x8192xi1>, vector<1x8192xf32>
    %add3A_50 = arith.addf %add3A_31, %select_n3A_49 : vector<1x8192xf32>
    %convert_element_type3A_51 = arith.extui %and3A_40 : i1 to i32
    %add3A_52 = arith.addi %add3A_33, %convert_element_type3A_51 : i32
    %max3A = arith.constant 1 : i32
    %max3A_53 = arith.maxsi %add3A_52, %max3A : i32
    %convert_element_type3A_54 = arith.sitofp %max3A_53 : i32 to f32
    %mul3A = vector.broadcast %add3A_50 : vector<1x8192xf32> to vector<256x8192xf32>
    %mul3A_55 = arith.mulf %get3A_1, %mul3A : vector<256x8192xf32>
    %reduce_sum3A = arith.constant dense<0.000000e+00> : vector<256xf32>
    %reduce_sum3A_56 = vector.multi_reduction <add>, %mul3A_55, %reduce_sum3A [1] : vector<256x8192xf32> to vector<256xf32>
    %broadcast_in_dim3A_57 = vector.shape_cast %reduce_sum3A_56 : vector<256xf32> to vector<256x1xf32>
    %div3A = vector.broadcast %convert_element_type3A_54 : f32 to vector<256x1xf32>
    %div3A_58 = arith.divf %broadcast_in_dim3A_57, %div3A : vector<256x1xf32>
    %mul3A_59 = vector.broadcast %div3A_58 : vector<256x1xf32> to vector<256x8192xf32>
    %mul3A_60 = arith.mulf %get3A_1, %mul3A_59 : vector<256x8192xf32>
    %reduce_sum3A_61 = arith.constant dense<0.000000e+00> : vector<8192xf32>
    %reduce_sum3A_62 = vector.multi_reduction <add>, %mul3A_60, %reduce_sum3A_61 [0] : vector<256x8192xf32> to vector<8192xf32>
    %broadcast_in_dim3A_63 = vector.shape_cast %reduce_sum3A_62 : vector<8192xf32> to vector<1x8192xf32>
    %mul3A_64 = arith.mulf %get3A_1, %get3A_1 : vector<256x8192xf32>
    %reduce_sum3A_65 = arith.constant dense<0.000000e+00> : vector<8192xf32>
    %reduce_sum3A_66 = vector.multi_reduction <add>, %mul3A_64, %reduce_sum3A_65 [0] : vector<256x8192xf32> to vector<8192xf32>
    %broadcast_in_dim3A_67 = vector.shape_cast %reduce_sum3A_66 : vector<8192xf32> to vector<1x8192xf32>
    %mul3A_68 = arith.mulf %div3A_58, %div3A_58 : vector<256x1xf32>
    %reduce_sum3A_69 = vector.shape_cast %mul3A_68 : vector<256x1xf32> to vector<1x256x1xf32>
    %reduce_sum3A_70 = arith.constant dense<0.000000e+00> : vector<1xf32>
    %reduce_sum3A_71 = vector.multi_reduction <add>, %reduce_sum3A_69, %reduce_sum3A_70 [1, 2] : vector<1x256x1xf32> to vector<1xf32>
    %reduce_sum3A_72 = vector.shape_cast %reduce_sum3A_71 : vector<1xf32> to vector<1x1x1xf32>
    %reduce_sum3A_73 = vector.extract %reduce_sum3A_72[0, 0, 0] : f32 from vector<1x1x1xf32>
    %eq3A_74 = arith.constant 0 : i32
    %eq3A_75 = arith.cmpi eq, %arg0, %eq3A_74 : i32
    %convert_element_type3A_76 = arith.extui %eq3A_75 : i1 to i32
    %cond3A = arith.constant 0 : i32
    %cond3A_77 = arith.cmpi ne, %convert_element_type3A_76, %cond3A : i32
    scf.if %cond3A_77 {
      %swap3A = arith.constant 0 : index
      %swap3A_87 = arith.constant 0 : index
      %swap3A_88 = vector.load %arg5[%swap3A, %swap3A_87] : memref<1x8192xf32, #tpu.memory_space<vmem>>, vector<1x8192xf32>
      tpu.vector_store %arg5[%swap3A, %swap3A_87], %broadcast_in_dim3A_63 {strides = array<i32>} : memref<1x8192xf32, #tpu.memory_space<vmem>>, vector<1x8192xf32>,
      %swap3A_89 = arith.constant 0 : index
      %swap3A_90 = arith.constant 0 : index
      %swap3A_91 = vector.load %arg6[%swap3A_89, %swap3A_90] : memref<1x8192xf32, #tpu.memory_space<vmem>>, vector<1x8192xf32>
      tpu.vector_store %arg6[%swap3A_89, %swap3A_90], %broadcast_in_dim3A_67 {strides = array<i32>} : memref<1x8192xf32, #tpu.memory_space<vmem>>, vector<1x8192xf32>,
      %swap3A_92 = arith.constant 0 : index
      %swap3A_93 = arith.constant 0 : index
      %swap3A_94 = memref.load %arg7[%swap3A_92, %swap3A_93] : memref<1x1xf32, #tpu.memory_space<smem>>
      memref.store %reduce_sum3A_73, %arg7[%swap3A_92, %swap3A_93] : memref<1x1xf32, #tpu.memory_space<smem>>
    } else {
    }
    %gt3A = arith.constant 0 : i32
    %gt3A_78 = arith.cmpi sgt, %arg0, %gt3A : i32
    %convert_element_type3A_79 = arith.extui %gt3A_78 : i1 to i32
    %cond3A_80 = arith.constant 0 : i32
    %cond3A_81 = arith.cmpi ne, %convert_element_type3A_79, %cond3A_80 : i32
    scf.if %cond3A_81 {
      %get3A_87 = arith.constant 0 : index
      %get3A_88 = arith.constant 0 : index
      %get3A_89 = vector.load %arg5[%get3A_87, %get3A_88] : memref<1x8192xf32, #tpu.memory_space<vmem>>, vector<1x8192xf32>
      %add3A_90 = arith.addf %get3A_89, %broadcast_in_dim3A_63 : vector<1x8192xf32>
      %swap3A = arith.constant 0 : index
      %swap3A_91 = arith.constant 0 : index
      %swap3A_92 = vector.load %arg5[%swap3A, %swap3A_91] : memref<1x8192xf32, #tpu.memory_space<vmem>>, vector<1x8192xf32>
      tpu.vector_store %arg5[%swap3A, %swap3A_91], %add3A_90 {strides = array<i32>} : memref<1x8192xf32, #tpu.memory_space<vmem>>, vector<1x8192xf32>,
      %get3A_93 = arith.constant 0 : index
      %get3A_94 = arith.constant 0 : index
      %get3A_95 = vector.load %arg6[%get3A_93, %get3A_94] : memref<1x8192xf32, #tpu.memory_space<vmem>>, vector<1x8192xf32>
      %add3A_96 = arith.addf %get3A_95, %broadcast_in_dim3A_67 : vector<1x8192xf32>
      %swap3A_97 = arith.constant 0 : index
      %swap3A_98 = arith.constant 0 : index
      %swap3A_99 = vector.load %arg6[%swap3A_97, %swap3A_98] : memref<1x8192xf32, #tpu.memory_space<vmem>>, vector<1x8192xf32>
      tpu.vector_store %arg6[%swap3A_97, %swap3A_98], %add3A_96 {strides = array<i32>} : memref<1x8192xf32, #tpu.memory_space<vmem>>, vector<1x8192xf32>,
      %get3A_100 = arith.constant 0 : index
      %get3A_101 = arith.constant 0 : index
      %get3A_102 = memref.load %arg7[%get3A_100, %get3A_101] : memref<1x1xf32, #tpu.memory_space<smem>>
      %add3A_103 = arith.addf %get3A_102, %reduce_sum3A_73 : f32
      %swap3A_104 = arith.constant 0 : index
      %swap3A_105 = arith.constant 0 : index
      %swap3A_106 = memref.load %arg7[%swap3A_104, %swap3A_105] : memref<1x1xf32, #tpu.memory_space<smem>>
      memref.store %add3A_103, %arg7[%swap3A_104, %swap3A_105] : memref<1x1xf32, #tpu.memory_space<smem>>
    } else {
    }
    %eq3A_82 = arith.constant 7 : i32
    %eq3A_83 = arith.cmpi eq, %arg0, %eq3A_82 : i32
    %convert_element_type3A_84 = arith.extui %eq3A_83 : i1 to i32
    %cond3A_85 = arith.constant 0 : i32
    %cond3A_86 = arith.cmpi ne, %convert_element_type3A_84, %cond3A_85 : i32
    scf.if %cond3A_86 {
      %get3A_87 = arith.constant 0 : index
      %get3A_88 = arith.constant 0 : index
      %get3A_89 = memref.load %arg7[%get3A_87, %get3A_88] : memref<1x1xf32, #tpu.memory_space<smem>>
      %sqrt3A = math.sqrt %get3A_89 : f32
      %add3A_90 = arith.constant 9.99999996E-13 : f32
      %add3A_91 = arith.addf %sqrt3A, %add3A_90 : f32
      %get3A_92 = arith.constant 0 : index
      %get3A_93 = arith.constant 0 : index
      %get3A_94 = vector.load %arg6[%get3A_92, %get3A_93] : memref<1x8192xf32, #tpu.memory_space<vmem>>, vector<1x8192xf32>
      %sqrt3A_95 = math.sqrt %get3A_94 : vector<1x8192xf32>
      %add3A_96 = arith.constant 9.99999996E-13 : f32
      %add3A_97 = vector.broadcast %add3A_96 : f32 to vector<1x8192xf32>
      %add3A_98 = arith.addf %sqrt3A_95, %add3A_97 : vector<1x8192xf32>
      %get3A_99 = arith.constant 0 : index
      %get3A_100 = arith.constant 0 : index
      %get3A_101 = vector.load %arg5[%get3A_99, %get3A_100] : memref<1x8192xf32, #tpu.memory_space<vmem>>, vector<1x8192xf32>
      %mul3A_102 = arith.constant 5.500000e-01 : f32
      %mul3A_103 = vector.broadcast %mul3A_102 : f32 to vector<1x8192xf32>
      %mul3A_104 = arith.mulf %mul3A_103, %get3A_101 : vector<1x8192xf32>
      %mul3A_105 = vector.broadcast %add3A_91 : f32 to vector<1x8192xf32>
      %mul3A_106 = arith.mulf %mul3A_105, %add3A_98 : vector<1x8192xf32>
      %div3A_107 = arith.divf %mul3A_104, %mul3A_106 : vector<1x8192xf32>
      %get3A_108 = arith.constant 0 : index
      %get3A_109 = arith.constant 0 : index
      %get3A_110 = vector.load %arg3[%get3A_108, %get3A_109] : memref<1x8192xf32, #tpu.memory_space<vmem>>, vector<1x8192xf32>
      %mul3A_111 = arith.constant 1.500000e-01 : f32
      %mul3A_112 = vector.broadcast %mul3A_111 : f32 to vector<1x8192xf32>
      %mul3A_113 = arith.mulf %mul3A_112, %get3A_110 : vector<1x8192xf32>
      %add3A_114 = arith.addf %div3A_107, %mul3A_113 : vector<1x8192xf32>
      %swap3A = arith.constant 0 : index
      %swap3A_115 = arith.constant 0 : index
      %swap3A_116 = vector.load %arg4[%swap3A, %swap3A_115] : memref<1x8192xf32, #tpu.memory_space<vmem>>, vector<1x8192xf32>
      tpu.vector_store %arg4[%swap3A, %swap3A_115], %add3A_114 {strides = array<i32>} : memref<1x8192xf32, #tpu.memory_space<vmem>>, vector<1x8192xf32>,
    } else {
    }
    return
  }
  func.func @transform_0(%arg0: i32) -> i32 {
    %c0_i32 = arith.constant 0 : i32
    %c0_i32_0 = arith.constant 0 : i32
    return %c0_i32 : i32
  }
  func.func @transform_1(%arg0: i32) -> (i32, i32) {
    %c0_i32 = arith.constant 0 : i32
    %c0_i32_0 = arith.constant 0 : i32
    return %arg0, %c0_i32 : i32, i32
  }
  func.func @transform_2(%arg0: i32) -> (i32, i32) {
    %c0_i32 = arith.constant 0 : i32
    %c0_i32_0 = arith.constant 0 : i32
    %c0_i32_1 = arith.constant 0 : i32
    return %c0_i32, %c0_i32_0 : i32, i32
  }
  func.func @transform_3(%arg0: i32) -> (i32, i32) {
    %c0_i32 = arith.constant 0 : i32
    %c0_i32_0 = arith.constant 0 : i32
    %c0_i32_1 = arith.constant 0 : i32
    return %c0_i32, %c0_i32_0 : i32, i32
  }
}

</mosaic_0001>

<sc_bundles>
// kernel: kernel.4.cloned.1.call-start
scs
__scs_entry_jumppad:
0x0: {  	(pc) =	sbr.rel $0x88, $3  }
0x1: {  	(tag) =	ssettag $0x0;
	lr =	simm.s32 $0x1  }
0x2: {  	[smem:$0x3F9C] =	sst lr;
	_ =	strace $0xD0000000  }
0x3: {  	_ = 	snop  }
0x4: {  	_ = 	snop  }
0x5: {  	_ = 	snop  }
0x6: {  	_ = 	snop  }
0x7: {  	_ = 	snop  }
__scs_overlays_trampoline_lowered:
0x8: {  	[smem:$0x3FAB] =	sst s0  }
0x9: {  	[smem:$0x3FAC] =	sst s1  }
0xa: {  	[smem:$0x3FAD] =	sst s2  }
0xb: {  	[smem:$0x3FAE] =	sst s3  }
0xc: {  	[smem:$0x3FAF] =	sst s4  }
0xd: {  	[smem:$0x3FB0] =	sst s5  }
0xe: {  	[smem:$0x3FB1] =	sst s6  }
0xf: {  	[smem:$0x3FB2] =	sst s7  }
0x10: {  	[smem:$0x3FB3] =	sst s8  }
0x11: {  	[smem:$0x3FB4] =	sst s9;
	s0 =	simm.s32 @!p0 $0x0  }
0x12: {  	s1 =	sld [smem:$0x3F9A];
	s0 =	simm.s32 @p0 $0x1  }
0x13: {  	[smem:$0x3FB5] =	sst s0;
	s0 =	simm.s32 @!p1 $0x0  }
0x14: {  	s2 =	sld [smem:$0x3F99];
	s0 =	simm.s32 @p1 $0x1  }
0x15: {  	[smem:$0x3FB6] =	sst s0;
	s0 =	simm.s32 @!p2 $0x0  }
0x16: {  	s3 =	sld [smem:$0x3FDB];
	s0 =	simm.s32 @p2 $0x1  }
0x17: {  	s4 =	simm.s32 $0x1BF5;
	[smem:$0x3FB8] =	sst s0  }
0x18: {  	s0 =	sld [smem:$0x3F9B];
	_ =	swait.ge [sflag:s4], $0x0  }
0x19: {  	s7 =	sld [smem:$0x3F9C]  }
0x1a: {  	s8 =	sadd.s32 $0xFFFFE003, lr  }
0x1b: {  	s9 =	sadd.s32 $0xFFFFFEF7, lr;
	s5 =	simm.s32 $0xFFFFFFFF;
	p2 =	slt.u32 s8, $0xFFFFF086  }
0x1c: {  	p1 =	slt.u32 s9, $0xF7A;
	s5 =	simm.s32 @!p2 $0x0  }
0x1d: {  	s5 =	simm.s32 @p1 $0x1;
	p0 =	seq.s32 s7, s2  }
0x1e: {  	s7 =	smul.u32 @!p0 $0xF7A, s2;
	p2 =	seq.s32 @!p0 s5, $0x0  }
0x1f: {  	s9 =	smul.u32 $0xF7A, s1;
	s8 =	simm.s32 @!p0 $0x1BF5;
	p2 =	por !p2, p0  }
0x20: {  	[sflag:s8] =	ssyncset.s32 @!p0 $0xFFFFF086;
	s6 =	sadd.s32 @!p0 s3, s7;
	s7 =	simm.s32 @!p0 $0x108  }
0x21: {  	s3 =	sadd.s32 s3, s9;
	s6 =	sadd.s32 @!p0 $0x88, s6;
	s7 =	simm.s32 @p2 $0x1082  }
0x22: {  	[simem:s7], [sflag:s8] =	dma.local @!p0 [hbm:s6], $0xF7A  }
0x23: {  	s9 =	sor.u32 $0xD0000000, s2;
	s6 =	simm.s32 $0x108;
	_ =	swait.ge @!p0 [sflag:s8], $0x0  }
0x24: {  	s3 =	sadd.s32 $0x88, s3;
	s6 =	simm.s32 @!p1 $0x1082;
	[sflag:s4] =	ssyncset.s32 $0xFFFFF086  }
0x25: {  	[simem:s6], [sflag:s4] =	dma.local [hbm:s3], $0xF7A  }
0x26: {  	[smem:$0x3F9C] =	sst s1;
	(tag) =	ssettag s2;
	_ =	strace s9  }
0x27: {  	s1 =	sld [smem:$0x3FAC]  }
0x28: {  	s2 =	sld [smem:$0x3FAD]  }
0x29: {  	s4 =	sld [smem:$0x3FAF]  }
0x2a: {  	p0 =	seq.s32 s5, $0x0;
	s5 =	sld [smem:$0x3FB0]  }
0x2b: {  	s6 =	sld [smem:$0x3FB1]  }
0x2c: {  	s7 =	sld [smem:$0x3FB2]  }
0x2d: {  	s3 =	simm.s32 $0x108;
	s8 =	sld [smem:$0x3FB3]  }
0x2e: {  	s3 =	simm.s32 @!p0 $0x1082;
	s9 =	sld [smem:$0x3FB4]  }
0x2f: {  	lr =	sadd.s32 s0, s3;
	s0 =	sld [smem:$0x3FAB]  }
0x30: {  	s3 =	sld [smem:$0x3FAE]  }
0x31: {  	[smem:$0x3FB7] =	sst s10  }
0x32: {  	s10 =	sld [smem:$0x3FB5];
	_ =	sdelay $0x3  }
0x33: {  	p0 =	seq.s32 s10, $0x1;
	s10 =	sld [smem:$0x3FB7];
	_ =	sdelay $0x3  }
0x34: {  	[smem:$0x3FB7] =	sst s10  }
0x35: {  	s10 =	sld [smem:$0x3FB6];
	_ =	sdelay $0x3  }
0x36: {  	p1 =	seq.s32 s10, $0x1;
	s10 =	sld [smem:$0x3FB7];
	_ =	sdelay $0x3  }
0x37: {  	[smem:$0x3FB7] =	sst s10  }
0x38: {  	s10 =	sld [smem:$0x3FB8]  }
0x39: {  	_ = 	snop;
	(pc) =	sbr.ind lr, $3  }
0x3a: {  	_ = 	snop  }
0x3b: {  	_ = 	snop  }
0x3c: {  	p2 =	seq.s32 s10, $0x1;
	s10 =	sld [smem:$0x3FB7]  }
0x3d: {  	_ =	shalt  }
0x3e: {  	_ =	shalt  }
0x3f: {  	_ =	shalt  }
0x40: {  	_ =	shalt  }
0x41: {  	_ =	shalt  }
0x42: {  	_ =	shalt  }
0x43: {  	_ =	shalt  }
0x44: {  	_ =	shalt  }
0x45: {  	_ =	shalt  }
0x46: {  	_ =	shalt  }
0x47: {  	_ =	shalt  }
0x48: {  	_ =	shalt  }
0x49: {  	_ =	shalt  }
0x4a: {  	_ =	shalt  }
0x4b: {  	_ =	shalt  }
0x4c: {  	_ =	shalt  }
0x4d: {  	_ =	shalt  }
0x4e: {  	_ =	shalt  }
0x4f: {  	_ =	shalt  }
0x50: {  	_ =	shalt  }
0x51: {  	_ =	shalt  }
0x52: {  	_ =	shalt  }
0x53: {  	_ =	shalt  }
0x54: {  	_ =	shalt  }
0x55: {  	_ =	shalt  }
0x56: {  	_ =	shalt  }
0x57: {  	_ =	shalt  }
0x58: {  	_ =	shalt  }
0x59: {  	_ =	shalt  }
0x5a: {  	_ =	shalt  }
0x5b: {  	_ =	shalt  }
0x5c: {  	_ =	shalt  }
0x5d: {  	_ =	shalt  }
0x5e: {  	_ =	shalt  }
0x5f: {  	_ =	shalt  }
0x60: {  	_ =	shalt  }
0x61: {  	_ =	shalt  }
0x62: {  	_ =	shalt  }
0x63: {  	_ =	shalt  }
0x64: {  	_ =	shalt  }
0x65: {  	_ =	shalt  }
0x66: {  	_ =	shalt  }
0x67: {  	_ =	shalt  }
0x68: {  	_ =	shalt  }
0x69: {  	_ =	shalt  }
0x6a: {  	_ =	shalt  }
0x6b: {  	_ =	shalt  }
0x6c: {  	_ =	shalt  }
0x6d: {  	_ =	shalt  }
0x6e: {  	_ =	shalt  }
0x6f: {  	_ =	shalt  }
0x70: {  	_ =	shalt  }
0x71: {  	_ =	shalt  }
0x72: {  	_ =	shalt  }
0x73: {  	_ =	shalt  }
0x74: {  	_ =	shalt  }
0x75: {  	_ =	shalt  }
0x76: {  	_ =	shalt  }
0x77: {  	_ =	shalt  }
0x78: {  	_ =	shalt  }
0x79: {  	_ =	shalt  }
0x7a: {  	_ =	shalt  }
0x7b: {  	_ =	shalt  }
0x7c: {  	_ =	shalt  }
0x7d: {  	_ =	shalt  }
0x7e: {  	_ =	shalt  }
0x7f: {  	_ =	shalt  }
0x80: {  	_ =	shalt  }
0x81: {  	_ =	shalt  }
0x82: {  	_ =	shalt  }
0x83: {  	_ =	shalt  }
0x84: {  	_ =	shalt  }
0x85: {  	_ =	shalt  }
0x86: {  	_ =	shalt  }
0x87: {  	_ =	shalt  }
.Lfunc_end0:
.L_simem_size_0:
called_computation_lowered:
.L_overlay_start_0:
0x88: {  	s0 =	sld [smem:$0x3FD9]  }
0x89: {  	s1 =	sld [smem:$0x3FFE];
	_ =	sdelay $0x3  }
0x8a: {  	s0 =	sadd.s32 s1, s0  }
0x8b: {  	[smem:$0x3FC3] =	sst s0  }
0x8c: {  	_ = 	snop  }
0x8d: {  	s0 =	sld [smem:$0x3FC6]  }
0x8e: {  	s16 =	sld [smem:$0x3FC5]  }
0x8f: {  	s2 =	sld [smem:$0x3FD0];
	(tm) =	ssettm $0x1  }
0x90: {  	s3 =	sld [smem:$0x3FFB];
	_ =	sdelay $0x3  }
0x91: {  	_ =	strace s3  }
0x92: {  	s3 =	sld [smem:$0x3FFC];
	_ =	sdelay $0x3  }
0x93: {  	_ =	strace s3  }
0x94: {  	s3 =	sld [smem:$0x3FFD];
	_ =	sdelay $0x3  }
0x95: {  	_ =	strace s3  }
0x96: {  	_ =	strace $0x8FFFFFFF  }
0x97: {  	s17 =	sld [smem:$0x3FDB];
	_ =	sdelay $0x1  }
0x98: {  	s4 =	simm.s32 $_scs_section_size  }
0x99: {  	s5 =	simm.s32 $_size__tile_overlayer_lowered;
	s6 =	simm.s32 $_tile_overlayer_lowered  }
0x9a: {  	s20 =	simm.s32 $0x1BFF;
	s19 =	sshll.u32 s6, $0x1;
	s3 =	sadd.s32 s4, s17  }
0x9b: {  	s7 =	simm.s32 $0x0;
	s18 =	sshll.u32 s5, $0x1;
	s5 =	sadd.s32 s19, s3  }
0x9c: {  	[timem:s7], [sflag:s20] =	dma.local [hbm:s5], s18  }
0x9d: {  	_ =	swait.ge [sflag:s20], s18  }
0x9e: {  	s4 =	ssub.s32 $0x0, s18;
	[sflag:s20] =	ssyncset.done $0x0  }
0x9f: {  	[sflag:s20] =	ssyncadd.s32 s4;
	_ =	sdelay $0x1  }
0xa0: {  	s21 =	simm.s32 $0x1B8B  }
0xa1: {  	_ =	swait.ge [sflag:s21], $0x1  }
0xa2: {  	[sflag:s21] =	ssyncset.done $0x0  }
0xa3: {  	s23 =	simm.s32 $0x1B8E;
	s22 =	sld [smem:$0x3FFE];
	[sflag:s21] =	ssyncadd.s32 $0xFFFFFFFF  }
0xa4: {  	s24 =	simm.s32 $execute0_lowered;
	[smem:$0x3FD2] =	sst s23  }
0xa5: {  	s5 =	sshll.u32 s24, $0x1;
	_ =	strace $0x80000046;
	[dreg:$0x1] =	wrdreg $0xFFFFFFFF  }
0xa6: {  	s25 =	simm.s32 $_size_execute0_lowered;
	s3 =	sadd.s32 s3, s5;
	[dreg:$0x0] =	wrdreg $0x0  }
0xa7: {  	s5 =	sshll.u32 s25, $0x1;
	[dreg:$0x2] =	wrdreg s3  }
0xa8: {  	[dreg:$0x3] =	wrdreg s5  }
0xa9: {  	[dreg:$0x4] =	wrdreg $0xC0  }
0xaa: {  	_ =	task [dreg:s7], $0x5FFFF  }
0xab: {  	[dreg:$0x1] =	wrdreg $0xFFFFFFFF  }
0xac: {  	[dreg:$0x0] =	wrdreg $0x60  }
0xad: {  	[dreg:$0x2] =	wrdreg s22  }
0xae: {  	[dreg:$0x3] =	wrdreg s0  }
0xaf: {  	[dreg:$0x4] =	wrdreg s16  }
0xb0: {  	[dreg:$0x5] =	wrdreg s2  }
0xb1: {  	[dreg:$0x6] =	wrdreg $0x9  }
0xb2: {  	_ =	task.clear_ibuf [dreg:s7], $0x7FFFF;
	_ =	strace $0x90000046  }
0xb3: {  	s26 =	simm.s32 $0x9;
	_ =	strace $0x80000048  }
0xb4: {  	_ =	swait.ge [sflag:s26], $0x1  }
0xb5: {  	[sflag:s26] =	ssyncadd.s32 $0xFFFFFFFF  }
0xb6: {  	_ =	strace $0x90000048  }
0xb7: {  	_ =	sfence  }
0xb8: {  	s28 =	sld [smem:$0x0];
	_ =	sdelay $0x1  }
0xb9: {  	s29 =	srdreg.scid  }
0xba: {  	s30 =	sshll.u32 s29, $0xD;
	s31 =	sshrl.u32 s29, $0x2  }
0xbb: {  	s1 =	sand.u32 $0x1, s29;
	s2 =	sand.u32 $0x4000, s30;
	s0 =	sadd.s32 s31, s28  }
0xbc: {  	s1 =	sor.u32 s2, s1;
	s0 =	sshll.u32 s0, $0x11  }
0xbd: {  	s0 =	sor.u32 s0, s1  }
0xbe: {  	s0 =	sadd.s32 $0x8F2B, s0  }
0xbf: {  	[sflag:s0] =	ssyncadd.remote.s32 $0x1  }
0xc0: {  	_ =	sfence.sel $0xFFFF  }
0xc1: {  	[dreg:$0x0] =	wrdreg $0xFFFFFFFF;
	(pc) =	sbr.abs _section_cstart, $3  }
0xc2: {  	[dreg:$0x1] =	wrdreg $0xFFFFFFFF  }
0xc3: {  	_ =	task.clear_ibuf [dreg:s7], $0x2FFFF;
	_ =	strace $0x9FFFFFFF  }
0xc4: {  	(tm) =	ssettm $0x7FFFFFFF  }
0xc5: {  	_ =	shalt  }
tec
execute0_lowered:
.L_overlay_start_1:
0x0: {  	(tag) =	ssettag $0x1  }
0x1: {  	s3 =	rddreg [dreg:$0x0]  }
0x2: {  	s4 =	rddreg [dreg:$0x1]  }
0x3: {  	s5 =	rddreg [dreg:$0x2]  }
0x4: {  	s1 =	rddreg [dreg:$0x3];
	s2 =	stileid.u32  }
0x5: {  	s0 =	rddreg [dreg:$0x4];
	_ =	strace $0x80000047;
	p0 =	sne.s32 s2, $0x0  }
0x6: {  	_ =	sfence.sel @p0 $0x180000  }
0x7: {  	[bflag:$0x0] =	sbarrier.arrive @p0 $0xFFFF  }
0x8: {  	_ =	strace @p0 $0x90000047  }
0x9: {  	[bflag:$0x2] =	sbarrier.arrive @p0 $0xFFFF  }
0xa: {  	_ =	shalt @p0  }
.LBB2_1:
0xb: {  	s2 =	simm.s32 $0x0;
	s6 =	simm.s32 $0x1000  }
0xc: {  	[tilespmem:s6], [sflag:$0x2] =	stream.linear.gather [hbm4b:s4+s2], $0x1000, $0x38;
	[tilespmem:$0x3080] =	vst v63  }
0xd: {  	s21 =	simm.s32 $0x1  }
0xe: {  	[tilespmem:s2], [sflag:$0x1] =	stream.linear.gather [hbm4b:s5+s2], $0x1000, $0x38;
	[tilespmem:$0x3080] =	vst v63  }
0xf: {  	_ =	swait.ge [sflag:s21], $0x1000  }
0x10: {  	s3 =	sadd.s32 $0xA00, s3;
	[sflag:s21] =	ssyncset.done $0x0  }
0x11: {  	s22 =	simm.s32 $0x400;
	s23 =	simm.s32 $0x2000;
	[sflag:s21] =	ssyncadd.s32 $0xFFFFF000  }
0x12: {  	[tilespmem:s23], [sflag:$0x1] =	stream.indirect.gather [hbm4b:s3+s22], $0x1, s2, s22, $0xb8;
	[tilespmem:$0x3080] =	vst v63  }
0x13: {  	s24 =	simm.s32 $0x2400  }
0x14: {  	[tilespmem:s24], [sflag:$0x1] =	stream.indirect.gather [hbm4b:s3+s22], $0x1, s22, s22, $0xb8;
	[tilespmem:$0x3080] =	vst v63  }
0x15: {  	s25 =	simm.s32 $0x800;
	s7 =	simm.s32 $0x2800  }
0x16: {  	[tilespmem:s7], [sflag:$0x1] =	stream.indirect.gather [hbm4b:s3+s22], $0x1, s25, s22, $0xb8;
	[tilespmem:$0x3080] =	vst v63  }
0x17: {  	s26 =	simm.s32 $0xC00;
	s28 =	simm.s32 $0x2C00;
	s29 =	simm.s32 $0x2  }
0x18: {  	[tilespmem:s28], [sflag:$0x1] =	stream.indirect.gather [hbm4b:s3+s22], $0x1, s26, s22, $0xb8;
	[tilespmem:$0x3080] =	vst v63  }
0x19: {  	_ =	swait.ge [sflag:s29], $0x1000  }
0x1a: {  	[sflag:s29] =	ssyncset.done $0x0  }
0x1b: {  	[sflag:s29] =	ssyncadd.s32 $0xFFFFF000  }
0x1c: {  	_ =	swait.ge [sflag:s21], $0x400  }
0x1d: {  	[sflag:s21] =	ssyncset.done $0x0  }
0x1e: {  	s30 =	simm.s32 $0x1020;
	[sflag:s21] =	ssyncadd.s32 $0xFFFFFC00  }
0x1f: {  	s31 =	simm.s32 $0x2020;
	v0 =	vld [tilespmem:s30+$0xFFFFFFE0]  }
0x20: {  	v6 =	vld [tilespmem:s31+$0xFFFFFFE0]  }
0x21: {  	v10 =	vld [tilespmem:s30+$0xFFFFFFF0]  }
0x22: {  	v3 =	vld [tilespmem:s31+$0xFFFFFFF0]  }
0x23: {  	v5 =	vld [tilespmem:s30+$0x0]  }
0x24: {  	v2 =	vld [tilespmem:s31+$0x0];
	v7 =	vmul.f32 $3.000000120e-01, v0  }
0x25: {  	v4 =	vld [tilespmem:s30+$0x10]  }
0x26: {  	s4 =	simm.s32 $0x1060;
	v1 =	vld [tilespmem:s31+$0x10];
	v0 =	vlaneseq.u32;
	v10 =	vmul.f32 $3.000000120e-01, v10;
	v7 =	vadd.f32 v7, v6  }
0x27: {  	v8 =	vimm.f32 $-1.000000020e+30;
	v9 =	vimm.s32 $0x0;
	s6 =	simm.s32 $0x80;
	s5 =	simm.s32 $0x2060;
	s3 =	simm.s32 $0x40;
	v11 =	vor.u32 s2, v0;
	v6 =	vld [tilespmem:s4+$0xFFFFFFE0]  }
.LBB2_2:
0x28: {  	p0 =	sne.s32 s6, $0x3C0;
	v12 =	vld [tilespmem:s5+$0xFFFFFFE0];
	vm0 =	vgt.f32 v7, v8;
	s7 =	sadd.s32 $0x10, s2;
	v10 =	vadd.f32 v10, v3;
	v5 =	vmul.f32 $3.000000120e-01, v5  }
0x29: {  	v13 =	vld [tilespmem:s4+$0xFFFFFFF0];
	v7 =	vsel vm0, v7, v8;
	v8 =	vsel vm0, v11, v9;
	v9 =	vor.u32 s7, v0  }
0x2a: {  	s7 =	sadd.s32 $0x20, s2;
	v3 =	vld [tilespmem:s5+$0xFFFFFFF0];
	vm0 =	vgt.f32 v10, v7;
	v11 =	vadd.f32 v5, v2;
	v4 =	vmul.f32 $3.000000120e-01, v4  }
.Ltmp0:
0x2b: {  	v5 =	vld [tilespmem:s4+$0x0];
	v7 =	vsel vm0, v10, v7;
	v8 =	vsel vm0, v9, v8;
	v9 =	vor.u32 s7, v0;
	(pc) =	sbr.rel @p0 .LBB2_2-.Ltmp0, $4  }
0x2c: {  	s7 =	sadd.s32 $0x30, s2;
	s2 =	smov.u32 s3;
	s3 =	smov.u32 s6;
	v6 =	vmul.f32 $3.000000120e-01, v6;
	v2 =	vld [tilespmem:s5+$0x0];
	vm0 =	vgt.f32 v11, v7;
	v14 =	vadd.f32 v4, v1  }
0x2d: {  	v16 =	vor.u32 s7, v0;
	v4 =	vld [tilespmem:s4+$0x10];
	v15 =	vsel vm0, v11, v7;
	v9 =	vsel vm0, v9, v8  }
0x2e: {  	s4 =	sadd.s32 $0x40, s4;
	v7 =	vadd.f32 v6, v12;
	v10 =	vmul.f32 $3.000000120e-01, v13;
	v1 =	vld [tilespmem:s5+$0x10];
	vm0 =	vgt.f32 v14, v15  }
0x2f: {  	s6 =	sadd.s32 $0x40, s6;
	v11 =	vor.u32 s2, v0;
	s5 =	sadd.s32 $0x40, s5;
	v6 =	vld [tilespmem:s4+$0xFFFFFFE0];
	v8 =	vsel vm0, v14, v15;
	v9 =	vsel vm0, v16, v9  }
0x30: {  	v12 =	vld [tilespmem:s5+$0xFFFFFFE0];
	vm0 =	vgt.f32 v7, v8;
	s6 =	sadd.s32 $0x10, s2;
	v3 =	vadd.f32 v10, v3;
	v5 =	vmul.f32 $3.000000120e-01, v5  }
0x31: {  	v13 =	vld [tilespmem:s4+$0xFFFFFFF0];
	v7 =	vsel vm0, v7, v8;
	v8 =	vsel vm0, v11, v9;
	v9 =	vor.u32 s6, v0  }
0x32: {  	v10 =	vld [tilespmem:s5+$0xFFFFFFF0];
	s23 =	sadd.s32 $0x20, s2;
	vm9 =	vgt.f32 v3, v7;
	v2 =	vadd.f32 v5, v2;
	v4 =	vmul.f32 $3.000000120e-01, v4  }
0x33: {  	v11 =	vld [tilespmem:s4+$0x0];
	v3 =	vsel vm9, v3, v7;
	v7 =	vsel vm9, v9, v8;
	v8 =	vor.u32 s23, v0  }
0x34: {  	s24 =	sadd.s32 $0x30, s2;
	v5 =	vld [tilespmem:s5+$0x0];
	v6 =	vmul.f32 $3.000000120e-01, v6;
	vm10 =	vgt.f32 v2, v3;
	v1 =	vadd.f32 v4, v1  }
0x35: {  	s25 =	simm.s32 $0x1;
	v9 =	vld [tilespmem:s4+$0x10];
	v2 =	vsel vm10, v2, v3;
	v3 =	vsel vm10, v8, v7;
	v7 =	vor.u32 s24, v0  }
0x36: {  	v4 =	vld [tilespmem:s5+$0x10];
	_ =	swait.ge [sflag:s25], $0x400;
	v8 =	vmul.f32 $3.000000120e-01, v13;
	v6 =	vadd.f32 v6, v12;
	vm11 =	vgt.f32 v1, v2  }
0x37: {  	[sflag:s25] =	ssyncset.done $0x0;
	v1 =	vsel vm11, v1, v2;
	v2 =	vsel vm11, v7, v3  }
0x38: {  	s26 =	simm.s32 $0x1430;
	[sflag:s25] =	ssyncadd.s32 $0xFFFFFC00;
	v3 =	vadd.f32 v8, v10;
	v7 =	vmul.f32 $3.000000120e-01, v11;
	vm12 =	vgt.f32 v6, v1  }
0x39: {  	v62 =	vor.u32 s3, v0;
	s29 =	simm.s32 $0x2430;
	v8 =	vld [tilespmem:s26+$0xFFFFFFD0];
	v1 =	vsel vm12, v6, v1  }
0x3a: {  	s28 =	sadd.s32 $0x10, s3;
	v10 =	vld [tilespmem:s29+$0xFFFFFFD0];
	v5 =	vadd.f32 v7, v5;
	v7 =	vmul.f32 $3.000000120e-01, v9;
	vm13 =	vgt.f32 v3, v1  }
0x3b: {  	v11 =	vld [tilespmem:s26+$0xFFFFFFE0];
	v2 =	vsel vm12, v62, v2;
	v6 =	vor.u32 s28, v0;
	v3 =	vsel vm13, v3, v1  }
0x3c: {  	s30 =	sadd.s32 $0x20, s3;
	s31 =	sadd.s32 $0x30, s3;
	v2 =	vsel vm13, v6, v2;
	v1 =	vld [tilespmem:s29+$0xFFFFFFE0];
	v7 =	vadd.f32 v7, v4;
	vm14 =	vgt.f32 v5, v3  }
0x3d: {  	v6 =	vor.u32 s30, v0;
	v4 =	vld [tilespmem:s26+$0xFFFFFFF0];
	v0 =	vor.u32 s31, v0;
	v3 =	vsel vm14, v5, v3  }
0x3e: {  	v63 =	vmul.f32 $3.000000120e-01, v8;
	v6 =	vsel vm14, v6, v2;
	v2 =	vld [tilespmem:s29+$0xFFFFFFF0];
	vm15 =	vgt.f32 v7, v3  }
0x3f: {  	v5 =	vld [tilespmem:s26+$0x0];
	v8 =	vsel vm15, v7, v3;
	v9 =	vsel vm15, v0, v6  }
0x40: {  	s3 =	simm.s32 $0x400;
	s4 =	simm.s32 $0x1470;
	v0 =	vlaneseq.u32;
	v3 =	vld [tilespmem:s29+$0x0];
	v7 =	vadd.f32 v63, v10;
	v10 =	vmul.f32 $3.000000120e-01, v11  }
0x41: {  	s2 =	simm.s32 $0x440;
	s6 =	simm.s32 $0x480;
	s5 =	simm.s32 $0x2470;
	v6 =	vld [tilespmem:s4+$0xFFFFFFD0];
	v11 =	vor.u32 s3, v0  }
.LBB2_4:
0x42: {  	p0 =	sne.s32 s6, $0x7C0;
	v12 =	vld [tilespmem:s5+$0xFFFFFFD0];
	vm0 =	vgt.f32 v7, v8;
	s7 =	sadd.s32 $0x10, s3;
	v10 =	vadd.f32 v10, v1;
	v4 =	vmul.f32 $3.000000120e-01, v4  }
0x43: {  	v13 =	vld [tilespmem:s4+$0xFFFFFFE0];
	v7 =	vsel vm0, v7, v8;
	v8 =	vsel vm0, v11, v9;
	v9 =	vor.u32 s7, v0  }
0x44: {  	s7 =	sadd.s32 $0x20, s3;
	v1 =	vld [tilespmem:s5+$0xFFFFFFE0];
	vm0 =	vgt.f32 v10, v7;
	v11 =	vadd.f32 v4, v2;
	v5 =	vmul.f32 $3.000000120e-01, v5  }
.Ltmp1:
0x45: {  	v4 =	vld [tilespmem:s4+$0xFFFFFFF0];
	v7 =	vsel vm0, v10, v7;
	v8 =	vsel vm0, v9, v8;
	v9 =	vor.u32 s7, v0;
	(pc) =	sbr.rel @p0 .LBB2_4-.Ltmp1, $4  }
0x46: {  	s7 =	sadd.s32 $0x30, s3;
	s3 =	smov.u32 s2;
	s2 =	smov.u32 s6;
	v6 =	vmul.f32 $3.000000120e-01, v6;
	v2 =	vld [tilespmem:s5+$0xFFFFFFF0];
	vm0 =	vgt.f32 v11, v7;
	v14 =	vadd.f32 v5, v3  }
0x47: {  	v16 =	vor.u32 s7, v0;
	v5 =	vld [tilespmem:s4+$0x0];
	v15 =	vsel vm0, v11, v7;
	v9 =	vsel vm0, v9, v8  }
0x48: {  	s4 =	sadd.s32 $0x40, s4;
	v7 =	vadd.f32 v6, v12;
	v10 =	vmul.f32 $3.000000120e-01, v13;
	v3 =	vld [tilespmem:s5+$0x0];
	vm0 =	vgt.f32 v14, v15  }
0x49: {  	s6 =	sadd.s32 $0x40, s6;
	v11 =	vor.u32 s3, v0;
	s5 =	sadd.s32 $0x40, s5;
	v6 =	vld [tilespmem:s4+$0xFFFFFFD0];
	v8 =	vsel vm0, v14, v15;
	v9 =	vsel vm0, v16, v9  }
0x4a: {  	v12 =	vld [tilespmem:s5+$0xFFFFFFD0];
	vm0 =	vgt.f32 v7, v8;
	s6 =	sadd.s32 $0x10, s3;
	v1 =	vadd.f32 v10, v1;
	v4 =	vmul.f32 $3.000000120e-01, v4  }
0x4b: {  	v13 =	vld [tilespmem:s4+$0xFFFFFFE0];
	v7 =	vsel vm0, v7, v8;
	v8 =	vsel vm0, v11, v9;
	v9 =	vor.u32 s6, v0  }
0x4c: {  	v10 =	vld [tilespmem:s5+$0xFFFFFFE0];
	s23 =	sadd.s32 $0x20, s3;
	vm9 =	vgt.f32 v1, v7;
	v2 =	vadd.f32 v4, v2;
	v4 =	vmul.f32 $3.000000120e-01, v5  }
0x4d: {  	v11 =	vld [tilespmem:s4+$0xFFFFFFF0];
	v1 =	vsel vm9, v1, v7;
	v7 =	vsel vm9, v9, v8;
	v8 =	vor.u32 s23, v0  }
0x4e: {  	s24 =	sadd.s32 $0x30, s3;
	v5 =	vld [tilespmem:s5+$0xFFFFFFF0];
	v6 =	vmul.f32 $3.000000120e-01, v6;
	vm10 =	vgt.f32 v2, v1;
	v3 =	vadd.f32 v4, v3  }
0x4f: {  	s25 =	simm.s32 $0x1;
	v9 =	vld [tilespmem:s4+$0x0];
	v1 =	vsel vm10, v2, v1;
	v2 =	vsel vm10, v8, v7;
	v7 =	vor.u32 s24, v0  }
0x50: {  	v4 =	vld [tilespmem:s5+$0x0];
	_ =	swait.ge [sflag:s25], $0x400;
	v8 =	vmul.f32 $3.000000120e-01, v13;
	v6 =	vadd.f32 v6, v12;
	vm11 =	vgt.f32 v3, v1  }
0x51: {  	[sflag:s25] =	ssyncset.done $0x0;
	v1 =	vsel vm11, v3, v1;
	v2 =	vsel vm11, v7, v2  }
0x52: {  	s26 =	simm.s32 $0x1830;
	[sflag:s25] =	ssyncadd.s32 $0xFFFFFC00;
	v3 =	vadd.f32 v8, v10;
	v7 =	vmul.f32 $3.000000120e-01, v11;
	vm12 =	vgt.f32 v6, v1  }
0x53: {  	v62 =	vor.u32 s2, v0;
	s29 =	simm.s32 $0x2830;
	v8 =	vld [tilespmem:s26+$0xFFFFFFD0];
	v1 =	vsel vm12, v6, v1  }
0x54: {  	s28 =	sadd.s32 $0x10, s2;
	v10 =	vld [tilespmem:s29+$0xFFFFFFD0];
	v5 =	vadd.f32 v7, v5;
	v7 =	vmul.f32 $3.000000120e-01, v9;
	vm13 =	vgt.f32 v3, v1  }
0x55: {  	v11 =	vld [tilespmem:s26+$0xFFFFFFE0];
	v2 =	vsel vm12, v62, v2;
	v6 =	vor.u32 s28, v0;
	v3 =	vsel vm13, v3, v1  }
0x56: {  	s30 =	sadd.s32 $0x20, s2;
	s31 =	sadd.s32 $0x30, s2;
	v2 =	vsel vm13, v6, v2;
	v1 =	vld [tilespmem:s29+$0xFFFFFFE0];
	v7 =	vadd.f32 v7, v4;
	vm14 =	vgt.f32 v5, v3  }
0x57: {  	v6 =	vor.u32 s30, v0;
	v4 =	vld [tilespmem:s26+$0xFFFFFFF0];
	v0 =	vor.u32 s31, v0;
	v3 =	vsel vm14, v5, v3  }
0x58: {  	v63 =	vmul.f32 $3.000000120e-01, v8;
	v6 =	vsel vm14, v6, v2;
	v2 =	vld [tilespmem:s29+$0xFFFFFFF0];
	vm15 =	vgt.f32 v7, v3  }
0x59: {  	v5 =	vld [tilespmem:s26+$0x0];
	v8 =	vsel vm15, v7, v3;
	v9 =	vsel vm15, v0, v6  }
0x5a: {  	s3 =	simm.s32 $0x800;
	s4 =	simm.s32 $0x1870;
	v0 =	vlaneseq.u32;
	v3 =	vld [tilespmem:s29+$0x0];
	v7 =	vadd.f32 v63, v10;
	v10 =	vmul.f32 $3.000000120e-01, v11  }
0x5b: {  	s2 =	simm.s32 $0x840;
	s6 =	simm.s32 $0x880;
	s5 =	simm.s32 $0x2870;
	v6 =	vld [tilespmem:s4+$0xFFFFFFD0];
	v11 =	vor.u32 s3, v0  }
.LBB2_6:
0x5c: {  	p0 =	sne.s32 s6, $0xBC0;
	v12 =	vld [tilespmem:s5+$0xFFFFFFD0];
	vm0 =	vgt.f32 v7, v8;
	s7 =	sadd.s32 $0x10, s3;
	v10 =	vadd.f32 v10, v1;
	v4 =	vmul.f32 $3.000000120e-01, v4  }
0x5d: {  	v13 =	vld [tilespmem:s4+$0xFFFFFFE0];
	v7 =	vsel vm0, v7, v8;
	v8 =	vsel vm0, v11, v9;
	v9 =	vor.u32 s7, v0  }
0x5e: {  	s7 =	sadd.s32 $0x20, s3;
	v1 =	vld [tilespmem:s5+$0xFFFFFFE0];
	vm0 =	vgt.f32 v10, v7;
	v11 =	vadd.f32 v4, v2;
	v5 =	vmul.f32 $3.000000120e-01, v5  }
.Ltmp2:
0x5f: {  	v4 =	vld [tilespmem:s4+$0xFFFFFFF0];
	v7 =	vsel vm0, v10, v7;
	v8 =	vsel vm0, v9, v8;
	v9 =	vor.u32 s7, v0;
	(pc) =	sbr.rel @p0 .LBB2_6-.Ltmp2, $4  }
0x60: {  	s7 =	sadd.s32 $0x30, s3;
	s3 =	smov.u32 s2;
	s2 =	smov.u32 s6;
	v6 =	vmul.f32 $3.000000120e-01, v6;
	v2 =	vld [tilespmem:s5+$0xFFFFFFF0];
	vm0 =	vgt.f32 v11, v7;
	v14 =	vadd.f32 v5, v3  }
0x61: {  	v16 =	vor.u32 s7, v0;
	v5 =	vld [tilespmem:s4+$0x0];
	v15 =	vsel vm0, v11, v7;
	v9 =	vsel vm0, v9, v8  }
0x62: {  	s4 =	sadd.s32 $0x40, s4;
	v7 =	vadd.f32 v6, v12;
	v10 =	vmul.f32 $3.000000120e-01, v13;
	v3 =	vld [tilespmem:s5+$0x0];
	vm0 =	vgt.f32 v14, v15  }
0x63: {  	s6 =	sadd.s32 $0x40, s6;
	v11 =	vor.u32 s3, v0;
	s5 =	sadd.s32 $0x40, s5;
	v6 =	vld [tilespmem:s4+$0xFFFFFFD0];
	v8 =	vsel vm0, v14, v15;
	v9 =	vsel vm0, v16, v9  }
0x64: {  	v12 =	vld [tilespmem:s5+$0xFFFFFFD0]  }
0x65: {  	v13 =	vld [tilespmem:s4+$0xFFFFFFE0]  }
0x66: {  	vm0 =	vgt.f32 v7, v8;
	s6 =	sadd.s32 $0x10, s3;
	v1 =	vadd.f32 v10, v1;
	v4 =	vmul.f32 $3.000000120e-01, v4;
	v10 =	vld [tilespmem:s5+$0xFFFFFFE0]  }
0x67: {  	v7 =	vsel vm0, v7, v8;
	v8 =	vsel vm0, v11, v9;
	v9 =	vor.u32 s6, v0;
	v11 =	vld [tilespmem:s4+$0xFFFFFFF0]  }
0x68: {  	s23 =	sadd.s32 $0x20, s3;
	vm9 =	vgt.f32 v1, v7;
	v2 =	vadd.f32 v4, v2;
	v4 =	vmul.f32 $3.000000120e-01, v5;
	v5 =	vld [tilespmem:s5+$0xFFFFFFF0]  }
0x69: {  	s25 =	simm.s32 $0x1;
	v1 =	vsel vm9, v1, v7;
	v7 =	vsel vm9, v9, v8;
	v8 =	vor.u32 s23, v0;
	v9 =	vld [tilespmem:s4+$0x0]  }
0x6a: {  	v6 =	vmul.f32 $3.000000120e-01, v6;
	vm10 =	vgt.f32 v2, v1;
	v3 =	vadd.f32 v4, v3;
	v4 =	vld [tilespmem:s5+$0x0];
	_ =	swait.ge [sflag:s25], $0x400  }
0x6b: {  	v1 =	vsel vm10, v2, v1;
	v2 =	vsel vm10, v8, v7;
	v8 =	vmul.f32 $3.000000120e-01, v13;
	[sflag:s25] =	ssyncset.done $0x0  }
0x6c: {  	s24 =	sadd.s32 $0x30, s3;
	v62 =	vor.u32 s2, v0;
	s26 =	simm.s32 $0x1C30;
	v6 =	vadd.f32 v6, v12;
	vm11 =	vgt.f32 v3, v1;
	[sflag:s25] =	ssyncadd.s32 $0xFFFFFC00  }
0x6d: {  	s29 =	simm.s32 $0x2C30;
	v7 =	vor.u32 s24, v0;
	v1 =	vsel vm11, v3, v1;
	v3 =	vadd.f32 v8, v10;
	v8 =	vld [tilespmem:s26+$0xFFFFFFD0]  }
0x6e: {  	s28 =	sadd.s32 $0x10, s2;
	v2 =	vsel vm11, v7, v2;
	v7 =	vmul.f32 $3.000000120e-01, v11;
	v11 =	vld [tilespmem:s29+$0xFFFFFFD0];
	vm12 =	vgt.f32 v6, v1  }
0x6f: {  	v63 =	vld [tilespmem:s26+$0xFFFFFFE0];
	v1 =	vsel vm12, v6, v1;
	v2 =	vsel vm12, v62, v2;
	v6 =	vor.u32 s28, v0  }
0x70: {  	s30 =	sadd.s32 $0x20, s2;
	v5 =	vadd.f32 v7, v5;
	v7 =	vmul.f32 $3.000000120e-01, v9;
	vm13 =	vgt.f32 v3, v1  }
0x71: {  	v9 =	vsel vm13, v3, v1;
	v2 =	vsel vm13, v6, v2;
	v1 =	vld [tilespmem:s29+$0xFFFFFFE0];
	v6 =	vor.u32 s30, v0  }
0x72: {  	s31 =	sadd.s32 $0x30, s2;
	v4 =	vadd.f32 v7, v4;
	v3 =	vld [tilespmem:s26+$0xFFFFFFF0];
	vm14 =	vgt.f32 v5, v9;
	v8 =	vmul.f32 $3.000000120e-01, v8  }
0x73: {  	v0 =	vor.u32 s31, v0;
	v5 =	vsel vm14, v5, v9;
	v7 =	vsel vm14, v6, v2;
	v2 =	vld [tilespmem:s29+$0xFFFFFFF0]  }
0x74: {  	s4 =	simm.s32 $0x1C70;
	v6 =	vld [tilespmem:s26+$0x0];
	vm15 =	vgt.f32 v4, v5;
	v9 =	vadd.f32 v8, v11;
	v11 =	vmul.f32 $3.000000120e-01, v63  }
0x75: {  	s3 =	simm.s32 $0xC00;
	v8 =	vld [tilespmem:s4+$0xFFFFFFD0];
	v10 =	vsel vm15, v4, v5;
	v4 =	vsel vm15, v0, v7;
	v0 =	vlaneseq.u32  }
0x76: {  	s2 =	simm.s32 $0xC40;
	s6 =	simm.s32 $0xC80;
	s5 =	simm.s32 $0x2C70;
	v5 =	vld [tilespmem:s29+$0x0];
	v7 =	vor.u32 s3, v0  }
.LBB2_8:
0x77: {  	p0 =	sne.s32 s6, $0xFC0;
	v12 =	vld [tilespmem:s5+$0xFFFFFFD0];
	vm0 =	vgt.f32 v9, v10;
	s7 =	sadd.s32 $0x10, s3;
	v11 =	vadd.f32 v11, v1;
	v3 =	vmul.f32 $3.000000120e-01, v3  }
0x78: {  	v13 =	vld [tilespmem:s4+$0xFFFFFFE0];
	v9 =	vsel vm0, v9, v10;
	v4 =	vsel vm0, v7, v4;
	v7 =	vor.u32 s7, v0  }
0x79: {  	s7 =	sadd.s32 $0x20, s3;
	v1 =	vld [tilespmem:s5+$0xFFFFFFE0];
	vm0 =	vgt.f32 v11, v9;
	v10 =	vadd.f32 v3, v2;
	v6 =	vmul.f32 $3.000000120e-01, v6  }
.Ltmp3:
0x7a: {  	v3 =	vld [tilespmem:s4+$0xFFFFFFF0];
	v9 =	vsel vm0, v11, v9;
	v4 =	vsel vm0, v7, v4;
	v7 =	vor.u32 s7, v0;
	(pc) =	sbr.rel @p0 .LBB2_8-.Ltmp3, $4  }
0x7b: {  	s7 =	sadd.s32 $0x30, s3;
	s3 =	smov.u32 s2;
	s2 =	smov.u32 s6;
	v8 =	vmul.f32 $3.000000120e-01, v8;
	v2 =	vld [tilespmem:s5+$0xFFFFFFF0];
	vm0 =	vgt.f32 v10, v9;
	v14 =	vadd.f32 v6, v5  }
0x7c: {  	v15 =	vor.u32 s7, v0;
	v6 =	vld [tilespmem:s4+$0x0];
	v10 =	vsel vm0, v10, v9;
	v4 =	vsel vm0, v7, v4  }
0x7d: {  	s4 =	sadd.s32 $0x40, s4;
	v9 =	vadd.f32 v8, v12;
	v11 =	vmul.f32 $3.000000120e-01, v13;
	v5 =	vld [tilespmem:s5+$0x0];
	vm0 =	vgt.f32 v14, v10  }
0x7e: {  	s6 =	sadd.s32 $0x40, s6;
	v7 =	vor.u32 s3, v0;
	s5 =	sadd.s32 $0x40, s5;
	v8 =	vld [tilespmem:s4+$0xFFFFFFD0];
	v10 =	vsel vm0, v14, v10;
	v4 =	vsel vm0, v15, v4  }
0x7f: {  	v12 =	vld [tilespmem:s5+$0xFFFFFFD0];
	vm0 =	vgt.f32 v9, v10;
	v1 =	vadd.f32 v11, v1;
	v3 =	vmul.f32 $3.000000120e-01, v3  }
0x80: {  	v43 =	vld [tilespmem:s4+$0xFFFFFFE0];
	v9 =	vsel vm0, v9, v10  }
0x81: {  	v44 =	vld [tilespmem:s5+$0xFFFFFFE0];
	vm1 =	vgt.f32 v1, v9;
	v2 =	vadd.f32 v3, v2;
	v45 =	vmul.f32 $3.000000120e-01, v6  }
0x82: {  	v46 =	vld [tilespmem:s4+$0xFFFFFFF0];
	v1 =	vsel vm1, v1, v9  }
0x83: {  	v47 =	vld [tilespmem:s5+$0xFFFFFFF0];
	v8 =	vmul.f32 $3.000000120e-01, v8;
	v3 =	vadd.f32 v45, v5;
	vm2 =	vgt.f32 v2, v1  }
0x84: {  	v48 =	vld [tilespmem:s4+$0x0];
	v1 =	vsel vm2, v2, v1  }
0x85: {  	v50 =	vmul.f32 $3.000000120e-01, v43;
	v49 =	vadd.f32 v8, v12;
	vm3 =	vgt.f32 v3, v1  }
0x86: {  	v51 =	vld [tilespmem:s5+$0x0];
	v1 =	vsel vm3, v3, v1  }
0x87: {  	v6 =	vmul.f32 $3.000000120e-01, v46;
	v8 =	vadd.f32 v50, v44;
	vm4 =	vgt.f32 v49, v1  }
0x88: {  	v1 =	vsel vm4, v49, v1  }
0x89: {  	v2 =	vmul.f32 $3.000000120e-01, v48;
	v52 =	vadd.f32 v6, v47;
	vm5 =	vgt.f32 v8, v1  }
0x8a: {  	v1 =	vsel vm5, v8, v1  }
0x8b: {  	v2 =	vadd.f32 v2, v51;
	vm6 =	vgt.f32 v52, v1  }
0x8c: {  	v1 =	vsel vm6, v52, v1  }
0x8d: {  	vm7 =	vgt.f32 v2, v1  }
0x8e: {  	v1 =	vsel vm7, v2, v1  }
0x8f: {  	s21 =	sadd.s32 $0x10, s3;
	(xrf0) =	vmax.scan.msk.f32 $0xffff, v1  }
0x90: {  	s22 =	sadd.s32 $0x20, s3;
	v53 =	vsel vm0, v7, v4;
	v54 =	vor.u32 s21, v0  }
0x91: {  	s23 =	sadd.s32 $0x30, s3;
	v55 =	vor.u32 s22, v0;
	v2 =	vsel vm1, v54, v53  }
0x92: {  	v56 =	vor.u32 s23, v0;
	v2 =	vsel vm2, v55, v2  }
0x93: {  	v57 =	vor.u32 s2, v0;
	s24 =	sadd.s32 $0x10, s2;
	v2 =	vsel vm3, v56, v2  }
0x94: {  	s25 =	sadd.s32 $0x20, s2;
	v58 =	vor.u32 s24, v0;
	v2 =	vsel vm4, v57, v2  }
0x95: {  	s26 =	sadd.s32 $0x30, s2;
	v59 =	vor.u32 s25, v0;
	v2 =	vsel vm5, v58, v2;
	v60, _, _ =	vpop (xrf0)  }
0x96: {  	v61 =	vor.u32 s26, v0;
	v2 =	vsel vm6, v59, v2;
	v62 =	vbroadcast v60, $0xF  }
0x97: {  	v0 =	vsel vm7, v61, v2  }
0x98: {  	v0 =	vxor.u32 $0x80000000, v0;
	vm15 =	veq.f32 v1, v62  }
0x99: {  	v0 =	vnsel vm15, $0xFFFFFFFF, v0  }
0x9a: {  	(xrf0) =	vmin.scan.msk.u32 $0xffff, v0;
	_ =	sdelay $0x5  }
0x9b: {  	v0, _, _ =	vpop (xrf0)  }
0x9c: {  	(v2sf) =	vpush v0, $0xF;
	_ =	sdelay $0xe  }
0x9d: {  	s28 =	spop (v2sf)  }
0x9e: {  	s2 =	sxor.u32 $0x80000000, s28  }
0x9f: {  	v63 =	vmov s2  }
0xa0: {  	s29 =	simm.s32 $0x0;
	s30 =	simm.s32 $0x3000;
	s31 =	simm.s32 $0x3;
	[tilespmem:$0x3000] =	vst v63  }
0xa1: {  	[hbm4b:s1+s29] =	stream.linear.scatter [tilespmem:s30], [sflag:$0x3], $0x80, $0x38;
	[tilespmem:$0x3080] =	vst v63  }
0xa2: {  	_ =	swait.ge [sflag:s31], $0x80  }
0xa3: {  	[sflag:s31] =	ssyncset.done $0x0  }
0xa4: {  	[sflag:s31] =	ssyncadd.s32 $0xFFFFFF80  }
0xa5: {  	_ =	sfence.sel $0x180000  }
0xa6: {  	[bflag:$0x0] =	sbarrier.arrive $0xFFFF  }
0xa7: {  	_ =	strace $0x90000047  }
0xa8: {  	s0 =	sadd.s32 $0x100000, s0;
	[bflag:$0x2] =	sbarrier.arrive $0xFFFF  }
0xa9: {  	[sflag:s0] =	ssyncadd.tile.s32 $0x1;
	_ =	shalt  }
.Lfunc_end2:
_tile_overlayer_lowered:
.L_overlay_start_2:
0xaa: {  	(tag) =	ssettag $0x2  }
0xab: {  	s0 =	rddreg [dreg:$0x0];
	s2 =	stileid.u32  }
0xac: {  	s1 =	rddreg [dreg:$0x1];
	p0 =	sne.s32 s2, $0x0  }
0xad: {  	s3 =	rddreg [dreg:$0x2];
	[bflag:$0x3] =	sbarrier.arrive $0xFFFF;
	s2 =	simm.s32 @!p0 $0x1C03  }
0xae: {  	[timem:s3], [sflag:s2] =	dma.local @!p0 [hbm:s0], s1  }
0xaf: {  	s0 =	simm.s32 @!p0 $0x3  }
0xb0: {  	_ =	swait.ge @!p0 [sflag:s0], s1  }
0xb1: {  	s1 =	ssub.s32 @!p0 $0x0, s1;
	[sflag:s0] =	ssyncset.done @!p0 $0x0  }
0xb2: {  	[sflag:s0] =	ssyncadd.s32 @!p0 s1  }
0xb3: {  	[bflag:$0x3] =	sbarrier.arrive $0xFFFF  }
0xb4: {  	_ =	shalt  }

</sc_bundles>
